<compile_context>
chip_gen: v7x
topology: tpu7x:2x2x1
jax: 0.10.2.dev20260603
libtpu: 0.0.44.dev20260713+nightly
codegen_flags: <defaults>
</compile_context>

<pallas_src>
import functools

import jax
import jax.numpy as jnp
from jax import lax
from jax.experimental import pallas as pl
from jax.experimental.pallas import tpu as pltpu
from jax.experimental.pallas import tpu_sc as plsc

G = 16
NPG = 1024
N = G * NPG
E = 262144
DIN = 256
H = 256
DOUT = 64
V = 128

NC = 2
NS = 16
NW = NC * NS

NCHUNK = 2
CW = H // NCHUNK
CPS = NCHUNK // NC


_DEG_EPT = E // NW
_DEG_NB = _DEG_EPT // 128

_sc_mesh = plsc.VectorSubcoreMesh(core_axis_name="c", subcore_axis_name="s")


@functools.partial(
    pl.kernel,
    out_type=jax.ShapeDtypeStruct((NC, N, 16), jnp.float32),
    mesh=_sc_mesh,
    compiler_params=pltpu.CompilerParams(use_tc_tiling_on_sc=False),
    scratch_types=[
        pltpu.VMEM_SHARED((N, 16), jnp.float32),
        pltpu.VMEM((_DEG_NB, 128), jnp.int32),
        pltpu.VMEM((128, 16), jnp.float32),
    ],
)
def _sc_degree(dst_hbm, ones_hbm, zeros_hbm, deg_hbm, acc, didx, obuf):
    c = lax.axis_index("c")
    s = lax.axis_index("s")
    w = s * NC + c
    pltpu.sync_copy(zeros_hbm, acc.at[pl.ds(s * NPG, NPG)])
    pltpu.sync_copy(ones_hbm, obuf)
    pltpu.sync_copy(dst_hbm.at[w], didx)
    plsc.subcore_barrier()

    def body(j, carry):
        pltpu.sync_copy(obuf, acc.at[didx.at[j]], add=True)
        return carry

    lax.fori_loop(0, _DEG_NB, body, 0)
    plsc.subcore_barrier()
    pltpu.sync_copy(acc.at[pl.ds(s * NPG, NPG)],
                    deg_hbm.at[c, pl.ds(s * NPG, NPG)])


def _run_sc_degree(dst):
    dst_r = dst.reshape(NW, _DEG_NB, 128)
    ones = jnp.ones((128, 16), jnp.float32)
    zeros = jnp.zeros((NPG, 16), jnp.float32)
    return _sc_degree(dst_r, ones, zeros)



_MSG_EPT = E // NS
_MSG_NB = _MSG_EPT // 128


@functools.partial(
    pl.kernel,
    out_type=jax.ShapeDtypeStruct((NCHUNK, G, NPG, CW), jnp.bfloat16),
    mesh=_sc_mesh,
    compiler_params=pltpu.CompilerParams(use_tc_tiling_on_sc=False),
    scratch_types=[
        pltpu.VMEM_SHARED((N, CW), jnp.bfloat16),
        pltpu.VMEM((_MSG_EPT,), jnp.int32),
        pltpu.VMEM((_MSG_NB, 128), jnp.int32),
        pltpu.VMEM((128, CW), jnp.bfloat16),
        pltpu.VMEM((128, CW), jnp.bfloat16),
        pltpu.SemaphoreType.DMA,
        pltpu.SemaphoreType.DMA,
    ],
)
def _sc_scatter(src_hbm, dst_hbm, hws_hbm, out_hbm, acc,
                sidx, didx, rb0, rb1, sem0, sem1):
    c = lax.axis_index("c")
    s = lax.axis_index("s")
    pltpu.sync_copy(src_hbm.at[s], sidx)
    pltpu.sync_copy(dst_hbm.at[s], didx)
    chunk = hws_hbm.at[c]

    def gat(b, rb, sem):
        return pltpu.async_copy(chunk.at[sidx.at[pl.ds(b * 128, 128)]],
                                rb, sem)

    pltpu.sync_copy(chunk.at[pl.ds(s * NPG, NPG)],
                    acc.at[pl.ds(s * NPG, NPG)])
    plsc.subcore_barrier()

    gat(0, rb0, sem0)

    def wat(b, rb, sem):
        pltpu.make_async_copy(chunk.at[sidx.at[pl.ds(b * 128, 128)]],
                              rb, sem).wait()

    def body(i2, carry):
        b0 = 2 * i2
        gat(b0 + 1, rb1, sem1)
        wat(b0, rb0, sem0)
        pltpu.sync_copy(rb0, acc.at[didx.at[b0]], add=True)

        @pl.when(i2 < _MSG_NB // 2 - 1)
        def _():
            gat(b0 + 2, rb0, sem0)

        wat(b0 + 1, rb1, sem1)
        pltpu.sync_copy(rb1, acc.at[didx.at[b0 + 1]], add=True)
        return carry

    lax.fori_loop(0, _MSG_NB // 2, body, 0)
    plsc.subcore_barrier()
    pltpu.sync_copy(acc.at[pl.ds(s * NPG, NPG)], out_hbm.at[c, s])
    plsc.subcore_barrier()


def _run_sc_scatter(src, dst, hws4):
    src_r = src.reshape(NS, _MSG_EPT)
    dst_r = dst.reshape(NS, _MSG_NB, 128)
    return _sc_scatter(src_r, dst_r, hws4)



_K1_BLK = 256
_K1_GRID = N // _K1_BLK


_DEGV = N // 8
_K1_DB = _K1_BLK // 8


def _deg_rsqrt(dv):
    q = dv.shape[1]
    b = q * 8
    d = dv[0] + dv[1] + 1.0
    rown = lax.broadcasted_iota(jnp.int32, (b, q), 0)
    colq = lax.broadcasted_iota(jnp.int32, (b, q), 1)
    p = (rown // 8 == colq).astype(jnp.float32)
    r = jnp.dot(p, d, preferred_element_type=jnp.float32)
    rowb = lax.broadcasted_iota(jnp.int32, (b, 128), 0)
    lane = lax.broadcasted_iota(jnp.int32, (b, 128), 1)
    m = (lane == (rowb % 8) * 16).astype(jnp.float32)
    return lax.rsqrt(jnp.sum(r * m, axis=1, keepdims=True))


def _tc_k1_body(x_ref, wemb_ref, bemb_ref, wg1_ref, degv_ref, out_ref):
    xb = x_ref[...].astype(jnp.bfloat16)
    hb = jnp.dot(xb, wemb_ref[...].astype(jnp.bfloat16),
                 preferred_element_type=jnp.float32)
    hb = (hb + bemb_ref[...]).astype(jnp.bfloat16)
    hw = jnp.dot(hb, wg1_ref[...].astype(jnp.bfloat16),
                 preferred_element_type=jnp.float32)
    hws = (hw * _deg_rsqrt(degv_ref[...])).astype(jnp.bfloat16)
    for cidx in range(NCHUNK):
        out_ref[cidx] = hws[:, cidx * CW:(cidx + 1) * CW]


def _run_tc_k1(x, W_emb, b_emb, W_g1, deg2):
    dv = deg2.reshape(NC, _DEGV, 128)
    full = lambda shape: pl.BlockSpec(shape, lambda i: (0,) * len(shape))
    return pl.pallas_call(
        _tc_k1_body,
        grid=(_K1_GRID,),
        in_specs=[
            pl.BlockSpec((_K1_BLK, DIN), lambda i: (i, 0)),
            full((DIN, H)),
            full((1, H)),
            full((H, H)),
            pl.BlockSpec((NC, _K1_DB, 128), lambda i: (0, i, 0)),
        ],
        out_specs=pl.BlockSpec((NCHUNK, _K1_BLK, CW), lambda i: (0, i, 0)),
        out_shape=jax.ShapeDtypeStruct((NCHUNK, N, CW), jnp.bfloat16),
    )(x, W_emb, b_emb.reshape(1, H), W_g1, dv)



def _tc_k2_body(op_ref, degv_ref, bg1_ref, aw1_ref, ab1_ref,
                aw2_ref, ab2_ref, virt_ref, ewt_ref, vw1_ref, vb1_ref,
                vw2_ref, vb2_ref, mw1_ref, mb1_ref, mw2_ref, mb2_ref,
                out_ref):
    parts = [op_ref[cidx, 0] for cidx in range(NCHUNK)]
    pre = jnp.concatenate(parts, axis=1).astype(jnp.float32)
    gx = jax.nn.relu(pre * _deg_rsqrt(degv_ref[...]) + bg1_ref[...])
    gxb = gx.astype(jnp.bfloat16)
    af = jnp.dot(gxb, aw1_ref[...].astype(jnp.bfloat16),
                 preferred_element_type=jnp.float32)
    af = jax.nn.relu(af + ab1_ref[...]).astype(jnp.bfloat16)
    af = jnp.dot(af, aw2_ref[...].astype(jnp.bfloat16),
                 preferred_element_type=jnp.float32)
    af = (af + ab2_ref[...]).astype(jnp.bfloat16)
    scores = lax.dot_general(af, virt_ref[0].astype(jnp.bfloat16),
                             (((1,), (1,)), ((), ())),
                             preferred_element_type=jnp.float32) * (1.0 / 16.0)
    ew = ewt_ref[0] * (1.0 + jax.nn.sigmoid(scores))
    rs = jnp.sum(ew, axis=1, keepdims=True)
    rs = jnp.where(rs == 0.0, 1.0, rs)
    ew = (ew / rs).astype(jnp.bfloat16)
    vn = lax.dot_general(ew, gxb, (((0,), (0,)), ((), ())),
                         preferred_element_type=jnp.float32)
    h1 = jnp.dot(vn.astype(jnp.bfloat16), vw1_ref[...].astype(jnp.bfloat16),
                 preferred_element_type=jnp.float32)
    h1 = jax.nn.relu(h1 + vb1_ref[...]).astype(jnp.bfloat16)
    h1 = jnp.dot(h1, vw2_ref[...].astype(jnp.bfloat16),
                 preferred_element_type=jnp.float32)
    h1 = h1 + vb2_ref[...]
    gf = jnp.mean(h1, axis=0, keepdims=True)
    o = jnp.dot(gf, mw1_ref[...], preferred_element_type=jnp.float32)
    o = jax.nn.relu(o + mb1_ref[...])
    o = jnp.dot(o, mw2_ref[...], preferred_element_type=jnp.float32)
    out_ref[0] = o + mb2_ref[...]


_K2_DB = NPG // 8


def _run_tc_k2(op, deg2, b_g1, aW1, ab1, aW2, ab2, virt, edge_weights,
               vW1, vb1, vW2, vb2, mW1, mb1, mW2, mb2):
    dv = deg2.reshape(NC, _DEGV, 128)
    full = lambda shape: pl.BlockSpec(shape, lambda g: (0,) * len(shape))
    out = pl.pallas_call(
        _tc_k2_body,
        grid=(G,),
        in_specs=[
            pl.BlockSpec((NCHUNK, 1, NPG, CW), lambda g: (0, g, 0, 0)),
            pl.BlockSpec((NC, _K2_DB, 128), lambda g: (0, g, 0)),
            full((1, H)),
            full((H, H)),
            full((1, H)),
            full((H, H)),
            full((1, H)),
            pl.BlockSpec((1, V, H), lambda g: (g, 0, 0)),
            pl.BlockSpec((1, NPG, V), lambda g: (g, 0, 0)),
            full((H, H)),
            full((1, H)),
            full((H, H)),
            full((1, H)),
            full((H, H)),
            full((1, H)),
            full((H, DOUT)),
            full((1, DOUT)),
        ],
        out_specs=pl.BlockSpec((1, 1, DOUT), lambda g: (g, 0, 0)),
        out_shape=jax.ShapeDtypeStruct((G, 1, DOUT), jnp.float32),
    )(op, dv, b_g1.reshape(1, H), aW1, ab1.reshape(1, H), aW2,
      ab2.reshape(1, H), virt, edge_weights, vW1, vb1.reshape(1, H), vW2,
      vb2.reshape(1, H), mW1, mb1.reshape(1, H), mW2, mb2.reshape(1, DOUT))
    return out.reshape(G, DOUT)


def kernel(x, edge_index, batch, W_emb, b_emb, W_g1, b_g1, aW1, ab1, aW2,
           ab2, vW1, vb1, vW2, vb2, mW1, mb1, mW2, mb2, edge_weights):
    src = edge_index[0]
    dst = edge_index[1]
    deg2 = _run_sc_degree(dst)
    hws4 = _run_tc_k1(x, W_emb, b_emb, W_g1, deg2)
    outpre4 = _run_sc_scatter(src, dst, hws4)
    virt = jax.random.normal(jax.random.key(42), (G, V, H), dtype=jnp.float32)
    virt = virt / jnp.linalg.norm(virt, axis=2, keepdims=True)
    return _run_tc_k2(outpre4, deg2, b_g1, aW1, ab1, aW2, ab2, virt,
                      edge_weights, vW1, vb1, vW2, vb2, mW1, mb1, mW2, mb2)

# --- scband reference (transcript-rebuilt; emitter-appended) ---
"""Pipeline reference for scband-improved-iprmpnnmodel-89876485636293 (READ-ONLY COPY).

The authoritative reference and input builder live on the scoring server;
editing this copy changes nothing except your own understanding.
"""

import jax, jax.numpy as jnp
import numpy as np

G = 16      # num graphs
NPG = 1024  # nodes per graph
N = G * NPG
E = 262144
DIN = 256
H = 256
DOUT = 64
V = 128     # virtual nodes per graph (Cayley: |SL(2,Z_12)|=1152 - 1024)


def _lin(k, i, o):
    return jax.random.normal(k, (i, o), dtype=jnp.float32) * (1.0 / np.sqrt(i))


def setup_inputs(seed: int = 0) -> dict:
    key = jax.random.key(seed)
    ks = jax.random.split(key, 20)
    inp = {}
    inp['x'] = jax.random.normal(ks[0], (N, DIN), dtype=jnp.float32)
    inp['edge_index'] = jax.random.randint(ks[1], (2, E), 0, N, dtype=jnp.int32)
    # contiguous equal-size graphs: batch = [0]*1024 ++ [1]*1024 ++ ...
    inp['batch'] = jnp.repeat(jnp.arange(G, dtype=jnp.int32), NPG)
    # node_embedding Linear(DIN, H)
    inp['W_emb'] = _lin(ks[2], DIN, H); inp['b_emb'] = jnp.zeros((H,), jnp.float32)
    # conv1 GCNConv(H, H)
    inp['W_g1'] = _lin(ks[3], H, H); inp['b_g1'] = jnp.zeros((H,), jnp.float32)
    # affinity_mlp: Linear(H,H) -> ReLU -> Linear(H,H)
    inp['aW1'] = _lin(ks[4], H, H); inp['ab1'] = jnp.zeros((H,), jnp.float32)
    inp['aW2'] = _lin(ks[5], H, H); inp['ab2'] = jnp.zeros((H,), jnp.float32)
    # virtual_node_mlp: Linear(H,H) -> ReLU -> Linear(H,H)
    inp['vW1'] = _lin(ks[6], H, H); inp['vb1'] = jnp.zeros((H,), jnp.float32)
    inp['vW2'] = _lin(ks[7], H, H); inp['vb2'] = jnp.zeros((H,), jnp.float32)
    # final mlp: Linear(H,H) -> ReLU -> Linear(H,DOUT)
    inp['mW1'] = _lin(ks[8], H, H); inp['mb1'] = jnp.zeros((H,), jnp.float32)
    inp['mW2'] = _lin(ks[9], H, DOUT); inp['mb2'] = jnp.zeros((DOUT,), jnp.float32)
    # per-graph learnable edge weights, uniform init: ones / num_virtual_nodes
    inp['edge_weights'] = jnp.ones((G, NPG, V), jnp.float32) / V
    return inp


def _gcn_conv(h, src, dst, W, b):
    n = h.shape[0]
    loop = jnp.arange(n, dtype=src.dtype)
    src2 = jnp.concatenate([src, loop])
    dst2 = jnp.concatenate([dst, loop])
    hw = h @ W
    deg = jax.ops.segment_sum(jnp.ones_like(dst2, dtype=hw.dtype), dst2, num_segments=n)
    dinv = jnp.where(deg > 0, 1.0 / jnp.sqrt(deg), 0.0)
    norm = dinv[src2] * dinv[dst2]
    msg = hw[src2] * norm[:, None]
    out = jax.ops.segment_sum(msg, dst2, num_segments=n)
    return out + b


def reference(x, edge_index, batch, W_emb, b_emb, W_g1, b_g1, aW1, ab1, aW2, ab2,
              vW1, vb1, vW2, vb2, mW1, mb1, mW2, mb2, edge_weights):
    h = x @ W_emb + b_emb                      # node_embedding
    h = jax.nn.relu(_gcn_conv(h, edge_index[0], edge_index[1], W_g1, b_g1))  # conv1 + relu
    gx = h.reshape(G, NPG, H)                  # per-graph node features (batch is contiguous blocks)
    # affinity MLP
    aff = jax.nn.relu(gx @ aW1 + ab1) @ aW2 + ab2
    # random unit-norm virtual node embeddings (fresh per graph, fixed seed)
    virt = jax.random.normal(jax.random.key(42), (G, V, H), dtype=jnp.float32)
    virt = virt / jnp.linalg.norm(virt, axis=2, keepdims=True)
    scores = jnp.einsum('gnh,gvh->gnv', aff, virt) / jnp.sqrt(jnp.float32(H))
    ew = edge_weights * (1.0 + jax.nn.sigmoid(scores))
    # top_k is None -> row-normalize over virtual-node axis
    rs = ew.sum(axis=2, keepdims=True)
    rs = jnp.where(rs == 0, jnp.float32(1.0), rs)
    ew = ew / rs
    # weighted aggregation of base nodes into virtual nodes
    vn = jnp.einsum('gnv,gnh->gvh', ew, gx)
    vn = jax.nn.relu(vn @ vW1 + vb1) @ vW2 + vb2
    gf = vn.mean(axis=1)                       # [G, H]
    out = jax.nn.relu(gf @ mW1 + mb1) @ mW2 + mb2
    return out

if __name__ == "__main__":
    import jax
    _d = setup_inputs()
    print(jax.jit(kernel)(*tuple(_d.values())))

</pallas_src>

<mosaic_0001>
#map = affine_map<(d0, d1) -> (0, 0)>
#map1 = affine_map<(d0, d1) -> (0, 0, 0)>
#map2 = affine_map<(d0, d1) -> (0, 0, 0, 0)>
module attributes {stable_mosaic.version = 14 : i64} {
  func.func @_sc_scatter(%arg0: i32, %arg1: i32, %arg2: memref<16x16384xi32, #tpu.memory_space<hbm>>, %arg3: memref<16x128x128xi32, #tpu.memory_space<hbm>>, %arg4: memref<2x16384x128xbf16, #tpu.memory_space<hbm>>, %arg5: memref<2x16x1024x128xbf16, #tpu.memory_space<hbm>>, %arg6: memref<16384x128xbf16, #tpu.memory_space<vmem_shared>>, %arg7: memref<16384xi32, #tpu.memory_space<vmem>>, %arg8: memref<128x128xi32, #tpu.memory_space<vmem>>, %arg9: memref<128x128xbf16, #tpu.memory_space<vmem>>, %arg10: memref<128x128xbf16, #tpu.memory_space<vmem>>, %arg11: memref<!tpu.dma_semaphore, #tpu.memory_space<semaphore_mem>>, %arg12: memref<!tpu.dma_semaphore, #tpu.memory_space<semaphore_mem>>) attributes {dimension_semantics = [#tpu.dimension_semantics<core_parallel>, #tpu.dimension_semantics<subcore_parallel>], iteration_bounds = array<i64: 2, 16>, scalar_prefetch = 0 : i64, scratch_operands = 7 : i64, tpu.core_type = #tpu.core_type<sc_vector_subcore>, window_params = [{transform_indices = #map}, {transform_indices = #map1}, {transform_indices = #map1}, {transform_indices = #map2}]} {
    "tpu.region"() ({
      %run_scoped3A = tpu.sem_alloc : memref<!tpu.dma_semaphore, #tpu.memory_space<semaphore_mem>>
      %dma_start3A_20 = arith.constant 0 : i32
      %dma_start3A_21 = tpu.memref_slice %arg2[%arg1, %dma_start3A_20] : memref<16x16384xi32, #tpu.memory_space<hbm>> -> memref<1x16384xi32, #tpu.memory_space<hbm>>
      %dma_start3A_22 = tpu.memref_squeeze %dma_start3A_21 : memref<1x16384xi32, #tpu.memory_space<hbm>> -> memref<16384xi32, #tpu.memory_space<hbm>>
      %dma_start3A_23 = arith.constant 0 : i32
      %dma_start3A_24 = tpu.memref_slice %arg2[%arg1, %dma_start3A_23] : memref<16x16384xi32, #tpu.memory_space<hbm>> -> memref<1x16384xi32, #tpu.memory_space<hbm>>
      %dma_start3A_25 = tpu.memref_squeeze %dma_start3A_24 : memref<1x16384xi32, #tpu.memory_space<hbm>> -> memref<16384xi32, #tpu.memory_space<hbm>>
      tpu.enqueue_dma source(%dma_start3A_25 : memref<16384xi32, #tpu.memory_space<hbm>>) target(%arg7 : memref<16384xi32, #tpu.memory_space<vmem>>) target_semaphore(%run_scoped3A : memref<!tpu.dma_semaphore, #tpu.memory_space<semaphore_mem>>)
      %dma_wait3A = arith.constant 0 : i32
      %dma_wait3A_26 = tpu.memref_slice %arg2[%arg1, %dma_wait3A] : memref<16x16384xi32, #tpu.memory_space<hbm>> -> memref<1x16384xi32, #tpu.memory_space<hbm>>
      %dma_wait3A_27 = tpu.memref_squeeze %dma_wait3A_26 : memref<1x16384xi32, #tpu.memory_space<hbm>> -> memref<16384xi32, #tpu.memory_space<hbm>>
      %dma_wait3A_28 = arith.constant 0 : i32
      %dma_wait3A_29 = tpu.memref_slice %arg2[%arg1, %dma_wait3A_28] : memref<16x16384xi32, #tpu.memory_space<hbm>> -> memref<1x16384xi32, #tpu.memory_space<hbm>>
      %dma_wait3A_30 = tpu.memref_squeeze %dma_wait3A_29 : memref<1x16384xi32, #tpu.memory_space<hbm>> -> memref<16384xi32, #tpu.memory_space<hbm>>
      tpu.wait_dma2 semaphore(%run_scoped3A : memref<!tpu.dma_semaphore, #tpu.memory_space<semaphore_mem>>) src(%dma_wait3A_30 : memref<16384xi32, #tpu.memory_space<hbm>>) dst(%arg7 : memref<16384xi32, #tpu.memory_space<vmem>>)
      tpu.yield
    }) : () -> ()
    "tpu.region"() ({
      %run_scoped3A = tpu.sem_alloc : memref<!tpu.dma_semaphore, #tpu.memory_space<semaphore_mem>>
      %dma_start3A_20 = arith.constant 0 : i32
      %dma_start3A_21 = arith.constant 0 : i32
      %dma_start3A_22 = tpu.memref_slice %arg3[%arg1, %dma_start3A_20, %dma_start3A_21] : memref<16x128x128xi32, #tpu.memory_space<hbm>> -> memref<1x128x128xi32, #tpu.memory_space<hbm>>
      %dma_start3A_23 = tpu.memref_squeeze %dma_start3A_22 : memref<1x128x128xi32, #tpu.memory_space<hbm>> -> memref<128x128xi32, #tpu.memory_space<hbm>>
      %dma_start3A_24 = arith.constant 0 : i32
      %dma_start3A_25 = arith.constant 0 : i32
      %dma_start3A_26 = tpu.memref_slice %arg3[%arg1, %dma_start3A_24, %dma_start3A_25] : memref<16x128x128xi32, #tpu.memory_space<hbm>> -> memref<1x128x128xi32, #tpu.memory_space<hbm>>
      %dma_start3A_27 = tpu.memref_squeeze %dma_start3A_26 : memref<1x128x128xi32, #tpu.memory_space<hbm>> -> memref<128x128xi32, #tpu.memory_space<hbm>>
      tpu.enqueue_dma source(%dma_start3A_27 : memref<128x128xi32, #tpu.memory_space<hbm>>) target(%arg8 : memref<128x128xi32, #tpu.memory_space<vmem>>) target_semaphore(%run_scoped3A : memref<!tpu.dma_semaphore, #tpu.memory_space<semaphore_mem>>)
      %dma_wait3A = arith.constant 0 : i32
      %dma_wait3A_28 = arith.constant 0 : i32
      %dma_wait3A_29 = tpu.memref_slice %arg3[%arg1, %dma_wait3A, %dma_wait3A_28] : memref<16x128x128xi32, #tpu.memory_space<hbm>> -> memref<1x128x128xi32, #tpu.memory_space<hbm>>
      %dma_wait3A_30 = tpu.memref_squeeze %dma_wait3A_29 : memref<1x128x128xi32, #tpu.memory_space<hbm>> -> memref<128x128xi32, #tpu.memory_space<hbm>>
      %dma_wait3A_31 = arith.constant 0 : i32
      %dma_wait3A_32 = arith.constant 0 : i32
      %dma_wait3A_33 = tpu.memref_slice %arg3[%arg1, %dma_wait3A_31, %dma_wait3A_32] : memref<16x128x128xi32, #tpu.memory_space<hbm>> -> memref<1x128x128xi32, #tpu.memory_space<hbm>>
      %dma_wait3A_34 = tpu.memref_squeeze %dma_wait3A_33 : memref<1x128x128xi32, #tpu.memory_space<hbm>> -> memref<128x128xi32, #tpu.memory_space<hbm>>
      tpu.wait_dma2 semaphore(%run_scoped3A : memref<!tpu.dma_semaphore, #tpu.memory_space<semaphore_mem>>) src(%dma_wait3A_34 : memref<128x128xi32, #tpu.memory_space<hbm>>) dst(%arg8 : memref<128x128xi32, #tpu.memory_space<vmem>>)
      tpu.yield
    }) : () -> ()
    %mul3A = arith.constant 1024 : i32
    %mul3A_0 = arith.muli %arg1, %mul3A : i32
    %mul3A_1 = arith.constant 1024 : i32
    %mul3A_2 = arith.muli %arg1, %mul3A_1 : i32
    "tpu.region"() ({
      %run_scoped3A = tpu.sem_alloc : memref<!tpu.dma_semaphore, #tpu.memory_space<semaphore_mem>>
      %dma_start3A_20 = arith.constant 0 : i32
      %dma_start3A_21 = tpu.memref_slice %arg6[%mul3A_2, %dma_start3A_20] : memref<16384x128xbf16, #tpu.memory_space<vmem_shared>> -> memref<1024x128xbf16, #tpu.memory_space<vmem_shared>>
      %dma_start3A_22 = arith.constant 0 : i32
      %dma_start3A_23 = arith.constant 0 : i32
      %dma_start3A_24 = tpu.memref_slice %arg4[%arg0, %dma_start3A_22, %dma_start3A_23] : memref<2x16384x128xbf16, #tpu.memory_space<hbm>> -> memref<1x16384x128xbf16, #tpu.memory_space<hbm>>
      %dma_start3A_25 = tpu.memref_squeeze %dma_start3A_24 : memref<1x16384x128xbf16, #tpu.memory_space<hbm>> -> memref<16384x128xbf16, #tpu.memory_space<hbm>>
      %dma_start3A_26 = arith.constant 0 : i32
      %dma_start3A_27 = tpu.memref_slice %dma_start3A_25[%mul3A_0, %dma_start3A_26] : memref<16384x128xbf16, #tpu.memory_space<hbm>> -> memref<1024x128xbf16, #tpu.memory_space<hbm>>
      tpu.enqueue_dma source(%dma_start3A_27 : memref<1024x128xbf16, #tpu.memory_space<hbm>>) target(%dma_start3A_21 : memref<1024x128xbf16, #tpu.memory_space<vmem_shared>>) target_semaphore(%run_scoped3A : memref<!tpu.dma_semaphore, #tpu.memory_space<semaphore_mem>>)
      %dma_wait3A = arith.constant 0 : i32
      %dma_wait3A_28 = tpu.memref_slice %arg6[%mul3A_2, %dma_wait3A] : memref<16384x128xbf16, #tpu.memory_space<vmem_shared>> -> memref<1024x128xbf16, #tpu.memory_space<vmem_shared>>
      %dma_wait3A_29 = arith.constant 0 : i32
      %dma_wait3A_30 = arith.constant 0 : i32
      %dma_wait3A_31 = tpu.memref_slice %arg4[%arg0, %dma_wait3A_29, %dma_wait3A_30] : memref<2x16384x128xbf16, #tpu.memory_space<hbm>> -> memref<1x16384x128xbf16, #tpu.memory_space<hbm>>
      %dma_wait3A_32 = tpu.memref_squeeze %dma_wait3A_31 : memref<1x16384x128xbf16, #tpu.memory_space<hbm>> -> memref<16384x128xbf16, #tpu.memory_space<hbm>>
      %dma_wait3A_33 = arith.constant 0 : i32
      %dma_wait3A_34 = tpu.memref_slice %dma_wait3A_32[%mul3A_0, %dma_wait3A_33] : memref<16384x128xbf16, #tpu.memory_space<hbm>> -> memref<1024x128xbf16, #tpu.memory_space<hbm>>
      tpu.wait_dma2 semaphore(%run_scoped3A : memref<!tpu.dma_semaphore, #tpu.memory_space<semaphore_mem>>) src(%dma_wait3A_34 : memref<1024x128xbf16, #tpu.memory_space<hbm>>) dst(%dma_wait3A_28 : memref<1024x128xbf16, #tpu.memory_space<vmem_shared>>)
      tpu.yield
    }) : () -> ()
    %barrier3A = arith.constant 0 : index
    tpu.barrier barrier_id(%barrier3A)
    %dma_start3A = arith.constant 0 : i32
    %dma_start3A_3 = tpu.memref_slice %arg7[%dma_start3A] : memref<16384xi32, #tpu.memory_space<vmem>> -> memref<128xi32, #tpu.memory_space<vmem>>
    %dma_start3A_4 = arith.constant 0 : i32
    %dma_start3A_5 = arith.constant 0 : i32
    %dma_start3A_6 = tpu.memref_slice %arg4[%arg0, %dma_start3A_4, %dma_start3A_5] : memref<2x16384x128xbf16, #tpu.memory_space<hbm>> -> memref<1x16384x128xbf16, #tpu.memory_space<hbm>>
    %dma_start3A_7 = tpu.memref_squeeze %dma_start3A_6 : memref<1x16384x128xbf16, #tpu.memory_space<hbm>> -> memref<16384x128xbf16, #tpu.memory_space<hbm>>
    %dma_start3A_8 = arith.constant 0 : i32
    %dma_start3A_9 = arith.constant 0 : i32
    %dma_start3A_10 = tpu.memref_slice %dma_start3A_7[%dma_start3A_8, %dma_start3A_9] : memref<16384x128xbf16, #tpu.memory_space<hbm>> -> memref<16384x128xbf16, #tpu.memory_space<hbm>>
    tpu.enqueue_indirect_dma source(%dma_start3A_10 : memref<16384x128xbf16, #tpu.memory_space<hbm>>) target(%arg9 : memref<128x128xbf16, #tpu.memory_space<vmem>>) offsets(%dma_start3A_3 : memref<128xi32, #tpu.memory_space<vmem>>) semaphore(%arg11 : memref<!tpu.dma_semaphore, #tpu.memory_space<semaphore_mem>>)
    %scan3A = arith.constant 0 : i32
    %scan3A_11 = arith.constant 0 : i32
    %scan3A_12 = arith.constant 64 : i32
    %scan3A_13 = arith.addi %scan3A_11, %scan3A_12 : i32
    %scan3A_14 = arith.constant 1 : i32
    scf.for %scan3A_20 = %scan3A_11 to %scan3A_13 step %scan3A_14  : i32 {
      %mul3A_21 = arith.constant 2 : i32
      %mul3A_22 = arith.muli %mul3A_21, %scan3A_20 : i32
      %add3A = arith.constant 1 : i32
      %add3A_23 = arith.addi %mul3A_22, %add3A : i32
      %mul3A_24 = arith.constant 128 : i32
      %mul3A_25 = arith.muli %add3A_23, %mul3A_24 : i32
      %dma_start3A_26 = tpu.memref_slice %arg7[%mul3A_25] : memref<16384xi32, #tpu.memory_space<vmem>> -> memref<128xi32, #tpu.memory_space<vmem>>
      %dma_start3A_27 = arith.constant 0 : i32
      %dma_start3A_28 = arith.constant 0 : i32
      %dma_start3A_29 = tpu.memref_slice %arg4[%arg0, %dma_start3A_27, %dma_start3A_28] : memref<2x16384x128xbf16, #tpu.memory_space<hbm>> -> memref<1x16384x128xbf16, #tpu.memory_space<hbm>>
      %dma_start3A_30 = tpu.memref_squeeze %dma_start3A_29 : memref<1x16384x128xbf16, #tpu.memory_space<hbm>> -> memref<16384x128xbf16, #tpu.memory_space<hbm>>
      %dma_start3A_31 = arith.constant 0 : i32
      %dma_start3A_32 = arith.constant 0 : i32
      %dma_start3A_33 = tpu.memref_slice %dma_start3A_30[%dma_start3A_31, %dma_start3A_32] : memref<16384x128xbf16, #tpu.memory_space<hbm>> -> memref<16384x128xbf16, #tpu.memory_space<hbm>>
      tpu.enqueue_indirect_dma source(%dma_start3A_33 : memref<16384x128xbf16, #tpu.memory_space<hbm>>) target(%arg10 : memref<128x128xbf16, #tpu.memory_space<vmem>>) offsets(%dma_start3A_26 : memref<128xi32, #tpu.memory_space<vmem>>) semaphore(%arg12 : memref<!tpu.dma_semaphore, #tpu.memory_space<semaphore_mem>>)
      %mul3A_34 = arith.constant 128 : i32
      %mul3A_35 = arith.muli %mul3A_22, %mul3A_34 : i32
      %dma_wait3A = tpu.memref_slice %arg7[%mul3A_35] : memref<16384xi32, #tpu.memory_space<vmem>> -> memref<128xi32, #tpu.memory_space<vmem>>
      %dma_wait3A_36 = arith.constant 0 : i32
      %dma_wait3A_37 = arith.constant 0 : i32
      %dma_wait3A_38 = tpu.memref_slice %arg4[%arg0, %dma_wait3A_36, %dma_wait3A_37] : memref<2x16384x128xbf16, #tpu.memory_space<hbm>> -> memref<1x16384x128xbf16, #tpu.memory_space<hbm>>
      %dma_wait3A_39 = tpu.memref_squeeze %dma_wait3A_38 : memref<1x16384x128xbf16, #tpu.memory_space<hbm>> -> memref<16384x128xbf16, #tpu.memory_space<hbm>>
      %dma_wait3A_40 = arith.constant 0 : i32
      %dma_wait3A_41 = arith.constant 0 : i32
      %dma_wait3A_42 = tpu.memref_slice %dma_wait3A_39[%dma_wait3A_40, %dma_wait3A_41] : memref<16384x128xbf16, #tpu.memory_space<hbm>> -> memref<16384x128xbf16, #tpu.memory_space<hbm>>
      tpu.wait_indirect_dma semaphore(%arg11 : memref<!tpu.dma_semaphore, #tpu.memory_space<semaphore_mem>>) src(%dma_wait3A_42 : memref<16384x128xbf16, #tpu.memory_space<hbm>>) dst(%arg9 : memref<128x128xbf16, #tpu.memory_space<vmem>>)
      "tpu.region"() ({
        %run_scoped3A = tpu.sem_alloc : memref<!tpu.dma_semaphore, #tpu.memory_space<semaphore_mem>>
        %dma_start3A_59 = arith.constant 0 : i32
        %dma_start3A_60 = tpu.memref_slice %arg8[%mul3A_22, %dma_start3A_59] : memref<128x128xi32, #tpu.memory_space<vmem>> -> memref<1x128xi32, #tpu.memory_space<vmem>>
        %dma_start3A_61 = tpu.memref_squeeze %dma_start3A_60 : memref<1x128xi32, #tpu.memory_space<vmem>> -> memref<128xi32, #tpu.memory_space<vmem>>
        %dma_start3A_62 = arith.constant 0 : i32
        %dma_start3A_63 = arith.constant 0 : i32
        %dma_start3A_64 = tpu.memref_slice %arg6[%dma_start3A_62, %dma_start3A_63] : memref<16384x128xbf16, #tpu.memory_space<vmem_shared>> -> memref<16384x128xbf16, #tpu.memory_space<vmem_shared>>
        tpu.enqueue_indirect_dma source(%arg9 : memref<128x128xbf16, #tpu.memory_space<vmem>>) target(%dma_start3A_64 : memref<16384x128xbf16, #tpu.memory_space<vmem_shared>>) offsets(%dma_start3A_61 : memref<128xi32, #tpu.memory_space<vmem>>) semaphore(%run_scoped3A : memref<!tpu.dma_semaphore, #tpu.memory_space<semaphore_mem>>) {add = true}
        %dma_wait3A_65 = arith.constant 0 : i32
        %dma_wait3A_66 = tpu.memref_slice %arg8[%mul3A_22, %dma_wait3A_65] : memref<128x128xi32, #tpu.memory_space<vmem>> -> memref<1x128xi32, #tpu.memory_space<vmem>>
        %dma_wait3A_67 = tpu.memref_squeeze %dma_wait3A_66 : memref<1x128xi32, #tpu.memory_space<vmem>> -> memref<128xi32, #tpu.memory_space<vmem>>
        %dma_wait3A_68 = arith.constant 0 : i32
        %dma_wait3A_69 = arith.constant 0 : i32
        %dma_wait3A_70 = tpu.memref_slice %arg6[%dma_wait3A_68, %dma_wait3A_69] : memref<16384x128xbf16, #tpu.memory_space<vmem_shared>> -> memref<16384x128xbf16, #tpu.memory_space<vmem_shared>>
        tpu.wait_indirect_dma semaphore(%run_scoped3A : memref<!tpu.dma_semaphore, #tpu.memory_space<semaphore_mem>>) src(%arg9 : memref<128x128xbf16, #tpu.memory_space<vmem>>) dst(%dma_wait3A_70 : memref<16384x128xbf16, #tpu.memory_space<vmem_shared>>)
        tpu.yield
      }) : () -> ()
      %lt3A = arith.constant 63 : i32
      %lt3A_43 = arith.cmpi slt, %scan3A_20, %lt3A : i32
      %convert_element_type3A = arith.extui %lt3A_43 : i1 to i32
      %cond3A = arith.constant 0 : i32
      %cond3A_44 = arith.cmpi ne, %convert_element_type3A, %cond3A : i32
      scf.if %cond3A_44 {
        %add3A_59 = arith.constant 2 : i32
        %add3A_60 = arith.addi %mul3A_22, %add3A_59 : i32
        %mul3A_61 = arith.constant 128 : i32
        %mul3A_62 = arith.muli %add3A_60, %mul3A_61 : i32
        %dma_start3A_63 = tpu.memref_slice %arg7[%mul3A_62] : memref<16384xi32, #tpu.memory_space<vmem>> -> memref<128xi32, #tpu.memory_space<vmem>>
        %dma_start3A_64 = arith.constant 0 : i32
        %dma_start3A_65 = arith.constant 0 : i32
        %dma_start3A_66 = tpu.memref_slice %arg4[%arg0, %dma_start3A_64, %dma_start3A_65] : memref<2x16384x128xbf16, #tpu.memory_space<hbm>> -> memref<1x16384x128xbf16, #tpu.memory_space<hbm>>
        %dma_start3A_67 = tpu.memref_squeeze %dma_start3A_66 : memref<1x16384x128xbf16, #tpu.memory_space<hbm>> -> memref<16384x128xbf16, #tpu.memory_space<hbm>>
        %dma_start3A_68 = arith.constant 0 : i32
        %dma_start3A_69 = arith.constant 0 : i32
        %dma_start3A_70 = tpu.memref_slice %dma_start3A_67[%dma_start3A_68, %dma_start3A_69] : memref<16384x128xbf16, #tpu.memory_space<hbm>> -> memref<16384x128xbf16, #tpu.memory_space<hbm>>
        tpu.enqueue_indirect_dma source(%dma_start3A_70 : memref<16384x128xbf16, #tpu.memory_space<hbm>>) target(%arg9 : memref<128x128xbf16, #tpu.memory_space<vmem>>) offsets(%dma_start3A_63 : memref<128xi32, #tpu.memory_space<vmem>>) semaphore(%arg11 : memref<!tpu.dma_semaphore, #tpu.memory_space<semaphore_mem>>)
      } else {
      }
      %add3A_45 = arith.constant 1 : i32
      %add3A_46 = arith.addi %mul3A_22, %add3A_45 : i32
      %mul3A_47 = arith.constant 128 : i32
      %mul3A_48 = arith.muli %add3A_46, %mul3A_47 : i32
      %dma_wait3A_49 = tpu.memref_slice %arg7[%mul3A_48] : memref<16384xi32, #tpu.memory_space<vmem>> -> memref<128xi32, #tpu.memory_space<vmem>>
      %dma_wait3A_50 = arith.constant 0 : i32
      %dma_wait3A_51 = arith.constant 0 : i32
      %dma_wait3A_52 = tpu.memref_slice %arg4[%arg0, %dma_wait3A_50, %dma_wait3A_51] : memref<2x16384x128xbf16, #tpu.memory_space<hbm>> -> memref<1x16384x128xbf16, #tpu.memory_space<hbm>>
      %dma_wait3A_53 = tpu.memref_squeeze %dma_wait3A_52 : memref<1x16384x128xbf16, #tpu.memory_space<hbm>> -> memref<16384x128xbf16, #tpu.memory_space<hbm>>
      %dma_wait3A_54 = arith.constant 0 : i32
      %dma_wait3A_55 = arith.constant 0 : i32
      %dma_wait3A_56 = tpu.memref_slice %dma_wait3A_53[%dma_wait3A_54, %dma_wait3A_55] : memref<16384x128xbf16, #tpu.memory_space<hbm>> -> memref<16384x128xbf16, #tpu.memory_space<hbm>>
      tpu.wait_indirect_dma semaphore(%arg12 : memref<!tpu.dma_semaphore, #tpu.memory_space<semaphore_mem>>) src(%dma_wait3A_56 : memref<16384x128xbf16, #tpu.memory_space<hbm>>) dst(%arg10 : memref<128x128xbf16, #tpu.memory_space<vmem>>)
      %add3A_57 = arith.constant 1 : i32
      %add3A_58 = arith.addi %mul3A_22, %add3A_57 : i32
      "tpu.region"() ({
        %run_scoped3A = tpu.sem_alloc : memref<!tpu.dma_semaphore, #tpu.memory_space<semaphore_mem>>
        %dma_start3A_59 = arith.constant 0 : i32
        %dma_start3A_60 = tpu.memref_slice %arg8[%add3A_58, %dma_start3A_59] : memref<128x128xi32, #tpu.memory_space<vmem>> -> memref<1x128xi32, #tpu.memory_space<vmem>>
        %dma_start3A_61 = tpu.memref_squeeze %dma_start3A_60 : memref<1x128xi32, #tpu.memory_space<vmem>> -> memref<128xi32, #tpu.memory_space<vmem>>
        %dma_start3A_62 = arith.constant 0 : i32
        %dma_start3A_63 = arith.constant 0 : i32
        %dma_start3A_64 = tpu.memref_slice %arg6[%dma_start3A_62, %dma_start3A_63] : memref<16384x128xbf16, #tpu.memory_space<vmem_shared>> -> memref<16384x128xbf16, #tpu.memory_space<vmem_shared>>
        tpu.enqueue_indirect_dma source(%arg10 : memref<128x128xbf16, #tpu.memory_space<vmem>>) target(%dma_start3A_64 : memref<16384x128xbf16, #tpu.memory_space<vmem_shared>>) offsets(%dma_start3A_61 : memref<128xi32, #tpu.memory_space<vmem>>) semaphore(%run_scoped3A : memref<!tpu.dma_semaphore, #tpu.memory_space<semaphore_mem>>) {add = true}
        %dma_wait3A_65 = arith.constant 0 : i32
        %dma_wait3A_66 = tpu.memref_slice %arg8[%add3A_58, %dma_wait3A_65] : memref<128x128xi32, #tpu.memory_space<vmem>> -> memref<1x128xi32, #tpu.memory_space<vmem>>
        %dma_wait3A_67 = tpu.memref_squeeze %dma_wait3A_66 : memref<1x128xi32, #tpu.memory_space<vmem>> -> memref<128xi32, #tpu.memory_space<vmem>>
        %dma_wait3A_68 = arith.constant 0 : i32
        %dma_wait3A_69 = arith.constant 0 : i32
        %dma_wait3A_70 = tpu.memref_slice %arg6[%dma_wait3A_68, %dma_wait3A_69] : memref<16384x128xbf16, #tpu.memory_space<vmem_shared>> -> memref<16384x128xbf16, #tpu.memory_space<vmem_shared>>
        tpu.wait_indirect_dma semaphore(%run_scoped3A : memref<!tpu.dma_semaphore, #tpu.memory_space<semaphore_mem>>) src(%arg10 : memref<128x128xbf16, #tpu.memory_space<vmem>>) dst(%dma_wait3A_70 : memref<16384x128xbf16, #tpu.memory_space<vmem_shared>>)
        tpu.yield
      }) : () -> ()
    }
    %scan3A_15 = arith.constant 64 : i32
    %barrier3A_16 = arith.constant 0 : index
    tpu.barrier barrier_id(%barrier3A_16)
    %mul3A_17 = arith.constant 1024 : i32
    %mul3A_18 = arith.muli %arg1, %mul3A_17 : i32
    "tpu.region"() ({
      %run_scoped3A = tpu.sem_alloc : memref<!tpu.dma_semaphore, #tpu.memory_space<semaphore_mem>>
      %dma_start3A_20 = arith.constant 0 : i32
      %dma_start3A_21 = arith.constant 0 : i32
      %dma_start3A_22 = tpu.memref_slice %arg5[%arg0, %arg1, %dma_start3A_20, %dma_start3A_21] : memref<2x16x1024x128xbf16, #tpu.memory_space<hbm>> -> memref<1x1x1024x128xbf16, #tpu.memory_space<hbm>>
      %dma_start3A_23 = tpu.memref_squeeze %dma_start3A_22 : memref<1x1x1024x128xbf16, #tpu.memory_space<hbm>> -> memref<1024x128xbf16, #tpu.memory_space<hbm>>
      %dma_start3A_24 = arith.constant 0 : i32
      %dma_start3A_25 = tpu.memref_slice %arg6[%mul3A_18, %dma_start3A_24] : memref<16384x128xbf16, #tpu.memory_space<vmem_shared>> -> memref<1024x128xbf16, #tpu.memory_space<vmem_shared>>
      tpu.enqueue_dma source(%dma_start3A_25 : memref<1024x128xbf16, #tpu.memory_space<vmem_shared>>) target(%dma_start3A_23 : memref<1024x128xbf16, #tpu.memory_space<hbm>>) target_semaphore(%run_scoped3A : memref<!tpu.dma_semaphore, #tpu.memory_space<semaphore_mem>>)
      %dma_wait3A = arith.constant 0 : i32
      %dma_wait3A_26 = arith.constant 0 : i32
      %dma_wait3A_27 = tpu.memref_slice %arg5[%arg0, %arg1, %dma_wait3A, %dma_wait3A_26] : memref<2x16x1024x128xbf16, #tpu.memory_space<hbm>> -> memref<1x1x1024x128xbf16, #tpu.memory_space<hbm>>
      %dma_wait3A_28 = tpu.memref_squeeze %dma_wait3A_27 : memref<1x1x1024x128xbf16, #tpu.memory_space<hbm>> -> memref<1024x128xbf16, #tpu.memory_space<hbm>>
      %dma_wait3A_29 = arith.constant 0 : i32
      %dma_wait3A_30 = tpu.memref_slice %arg6[%mul3A_18, %dma_wait3A_29] : memref<16384x128xbf16, #tpu.memory_space<vmem_shared>> -> memref<1024x128xbf16, #tpu.memory_space<vmem_shared>>
      tpu.wait_dma2 semaphore(%run_scoped3A : memref<!tpu.dma_semaphore, #tpu.memory_space<semaphore_mem>>) src(%dma_wait3A_30 : memref<1024x128xbf16, #tpu.memory_space<vmem_shared>>) dst(%dma_wait3A_28 : memref<1024x128xbf16, #tpu.memory_space<hbm>>)
      tpu.yield
    }) : () -> ()
    %barrier3A_19 = arith.constant 0 : index
    tpu.barrier barrier_id(%barrier3A_19)
    return
  }
}

#map = affine_map<(d0, d1) -> (0, 0, 0)>
#map1 = affine_map<(d0, d1) -> (0, 0)>
module attributes {stable_mosaic.version = 14 : i64} {
  func.func @_sc_degree(%arg0: i32, %arg1: i32, %arg2: memref<32x64x128xi32, #tpu.memory_space<hbm>>, %arg3: memref<128x16xf32, #tpu.memory_space<hbm>>, %arg4: memref<1024x16xf32, #tpu.memory_space<hbm>>, %arg5: memref<2x16384x16xf32, #tpu.memory_space<hbm>>, %arg6: memref<16384x16xf32, #tpu.memory_space<vmem_shared>>, %arg7: memref<64x128xi32, #tpu.memory_space<vmem>>, %arg8: memref<128x16xf32, #tpu.memory_space<vmem>>) attributes {dimension_semantics = [#tpu.dimension_semantics<core_parallel>, #tpu.dimension_semantics<subcore_parallel>], iteration_bounds = array<i64: 2, 16>, scalar_prefetch = 0 : i64, scratch_operands = 3 : i64, tpu.core_type = #tpu.core_type<sc_vector_subcore>, window_params = [{transform_indices = #map}, {transform_indices = #map1}, {transform_indices = #map1}, {transform_indices = #map}]} {
    %mul3A = arith.constant 2 : i32
    %mul3A_0 = arith.muli %arg1, %mul3A : i32
    %add3A = arith.addi %mul3A_0, %arg0 : i32
    %mul3A_1 = arith.constant 1024 : i32
    %mul3A_2 = arith.muli %arg1, %mul3A_1 : i32
    "tpu.region"() ({
      %run_scoped3A = tpu.sem_alloc : memref<!tpu.dma_semaphore, #tpu.memory_space<semaphore_mem>>
      %dma_start3A = arith.constant 0 : i32
      %dma_start3A_13 = tpu.memref_slice %arg6[%mul3A_2, %dma_start3A] : memref<16384x16xf32, #tpu.memory_space<vmem_shared>> -> memref<1024x16xf32, #tpu.memory_space<vmem_shared>>
      tpu.enqueue_dma source(%arg4 : memref<1024x16xf32, #tpu.memory_space<hbm>>) target(%dma_start3A_13 : memref<1024x16xf32, #tpu.memory_space<vmem_shared>>) target_semaphore(%run_scoped3A : memref<!tpu.dma_semaphore, #tpu.memory_space<semaphore_mem>>)
      %dma_wait3A = arith.constant 0 : i32
      %dma_wait3A_14 = tpu.memref_slice %arg6[%mul3A_2, %dma_wait3A] : memref<16384x16xf32, #tpu.memory_space<vmem_shared>> -> memref<1024x16xf32, #tpu.memory_space<vmem_shared>>
      tpu.wait_dma2 semaphore(%run_scoped3A : memref<!tpu.dma_semaphore, #tpu.memory_space<semaphore_mem>>) src(%arg4 : memref<1024x16xf32, #tpu.memory_space<hbm>>) dst(%dma_wait3A_14 : memref<1024x16xf32, #tpu.memory_space<vmem_shared>>)
      tpu.yield
    }) : () -> ()
    "tpu.region"() ({
      %run_scoped3A = tpu.sem_alloc : memref<!tpu.dma_semaphore, #tpu.memory_space<semaphore_mem>>
      tpu.enqueue_dma source(%arg3 : memref<128x16xf32, #tpu.memory_space<hbm>>) target(%arg8 : memref<128x16xf32, #tpu.memory_space<vmem>>) target_semaphore(%run_scoped3A : memref<!tpu.dma_semaphore, #tpu.memory_space<semaphore_mem>>)
      tpu.wait_dma2 semaphore(%run_scoped3A : memref<!tpu.dma_semaphore, #tpu.memory_space<semaphore_mem>>) src(%arg3 : memref<128x16xf32, #tpu.memory_space<hbm>>) dst(%arg8 : memref<128x16xf32, #tpu.memory_space<vmem>>)
      tpu.yield
    }) : () -> ()
    "tpu.region"() ({
      %run_scoped3A = tpu.sem_alloc : memref<!tpu.dma_semaphore, #tpu.memory_space<semaphore_mem>>
      %dma_start3A = arith.constant 0 : i32
      %dma_start3A_13 = arith.constant 0 : i32
      %dma_start3A_14 = tpu.memref_slice %arg2[%add3A, %dma_start3A, %dma_start3A_13] : memref<32x64x128xi32, #tpu.memory_space<hbm>> -> memref<1x64x128xi32, #tpu.memory_space<hbm>>
      %dma_start3A_15 = tpu.memref_squeeze %dma_start3A_14 : memref<1x64x128xi32, #tpu.memory_space<hbm>> -> memref<64x128xi32, #tpu.memory_space<hbm>>
      %dma_start3A_16 = arith.constant 0 : i32
      %dma_start3A_17 = arith.constant 0 : i32
      %dma_start3A_18 = tpu.memref_slice %arg2[%add3A, %dma_start3A_16, %dma_start3A_17] : memref<32x64x128xi32, #tpu.memory_space<hbm>> -> memref<1x64x128xi32, #tpu.memory_space<hbm>>
      %dma_start3A_19 = tpu.memref_squeeze %dma_start3A_18 : memref<1x64x128xi32, #tpu.memory_space<hbm>> -> memref<64x128xi32, #tpu.memory_space<hbm>>
      tpu.enqueue_dma source(%dma_start3A_19 : memref<64x128xi32, #tpu.memory_space<hbm>>) target(%arg7 : memref<64x128xi32, #tpu.memory_space<vmem>>) target_semaphore(%run_scoped3A : memref<!tpu.dma_semaphore, #tpu.memory_space<semaphore_mem>>)
      %dma_wait3A = arith.constant 0 : i32
      %dma_wait3A_20 = arith.constant 0 : i32
      %dma_wait3A_21 = tpu.memref_slice %arg2[%add3A, %dma_wait3A, %dma_wait3A_20] : memref<32x64x128xi32, #tpu.memory_space<hbm>> -> memref<1x64x128xi32, #tpu.memory_space<hbm>>
      %dma_wait3A_22 = tpu.memref_squeeze %dma_wait3A_21 : memref<1x64x128xi32, #tpu.memory_space<hbm>> -> memref<64x128xi32, #tpu.memory_space<hbm>>
      %dma_wait3A_23 = arith.constant 0 : i32
      %dma_wait3A_24 = arith.constant 0 : i32
      %dma_wait3A_25 = tpu.memref_slice %arg2[%add3A, %dma_wait3A_23, %dma_wait3A_24] : memref<32x64x128xi32, #tpu.memory_space<hbm>> -> memref<1x64x128xi32, #tpu.memory_space<hbm>>
      %dma_wait3A_26 = tpu.memref_squeeze %dma_wait3A_25 : memref<1x64x128xi32, #tpu.memory_space<hbm>> -> memref<64x128xi32, #tpu.memory_space<hbm>>
      tpu.wait_dma2 semaphore(%run_scoped3A : memref<!tpu.dma_semaphore, #tpu.memory_space<semaphore_mem>>) src(%dma_wait3A_26 : memref<64x128xi32, #tpu.memory_space<hbm>>) dst(%arg7 : memref<64x128xi32, #tpu.memory_space<vmem>>)
      tpu.yield
    }) : () -> ()
    %barrier3A = arith.constant 0 : index
    tpu.barrier barrier_id(%barrier3A)
    %scan3A = arith.constant 0 : i32
    %scan3A_3 = arith.constant 0 : i32
    %scan3A_4 = arith.constant 64 : i32
    %scan3A_5 = arith.addi %scan3A_3, %scan3A_4 : i32
    %scan3A_6 = arith.constant 1 : i32
    scf.for %scan3A_13 = %scan3A_3 to %scan3A_5 step %scan3A_6  : i32 {
      "tpu.region"() ({
        %run_scoped3A = tpu.sem_alloc : memref<!tpu.dma_semaphore, #tpu.memory_space<semaphore_mem>>
        %dma_start3A = arith.constant 0 : i32
        %dma_start3A_14 = tpu.memref_slice %arg7[%scan3A_13, %dma_start3A] : memref<64x128xi32, #tpu.memory_space<vmem>> -> memref<1x128xi32, #tpu.memory_space<vmem>>
        %dma_start3A_15 = tpu.memref_squeeze %dma_start3A_14 : memref<1x128xi32, #tpu.memory_space<vmem>> -> memref<128xi32, #tpu.memory_space<vmem>>
        %dma_start3A_16 = arith.constant 0 : i32
        %dma_start3A_17 = arith.constant 0 : i32
        %dma_start3A_18 = tpu.memref_slice %arg6[%dma_start3A_16, %dma_start3A_17] : memref<16384x16xf32, #tpu.memory_space<vmem_shared>> -> memref<16384x16xf32, #tpu.memory_space<vmem_shared>>
        tpu.enqueue_indirect_dma source(%arg8 : memref<128x16xf32, #tpu.memory_space<vmem>>) target(%dma_start3A_18 : memref<16384x16xf32, #tpu.memory_space<vmem_shared>>) offsets(%dma_start3A_15 : memref<128xi32, #tpu.memory_space<vmem>>) semaphore(%run_scoped3A : memref<!tpu.dma_semaphore, #tpu.memory_space<semaphore_mem>>) {add = true}
        %dma_wait3A = arith.constant 0 : i32
        %dma_wait3A_19 = tpu.memref_slice %arg7[%scan3A_13, %dma_wait3A] : memref<64x128xi32, #tpu.memory_space<vmem>> -> memref<1x128xi32, #tpu.memory_space<vmem>>
        %dma_wait3A_20 = tpu.memref_squeeze %dma_wait3A_19 : memref<1x128xi32, #tpu.memory_space<vmem>> -> memref<128xi32, #tpu.memory_space<vmem>>
        %dma_wait3A_21 = arith.constant 0 : i32
        %dma_wait3A_22 = arith.constant 0 : i32
        %dma_wait3A_23 = tpu.memref_slice %arg6[%dma_wait3A_21, %dma_wait3A_22] : memref<16384x16xf32, #tpu.memory_space<vmem_shared>> -> memref<16384x16xf32, #tpu.memory_space<vmem_shared>>
        tpu.wait_indirect_dma semaphore(%run_scoped3A : memref<!tpu.dma_semaphore, #tpu.memory_space<semaphore_mem>>) src(%arg8 : memref<128x16xf32, #tpu.memory_space<vmem>>) dst(%dma_wait3A_23 : memref<16384x16xf32, #tpu.memory_space<vmem_shared>>)
        tpu.yield
      }) : () -> ()
    }
    %scan3A_7 = arith.constant 64 : i32
    %barrier3A_8 = arith.constant 0 : index
    tpu.barrier barrier_id(%barrier3A_8)
    %mul3A_9 = arith.constant 1024 : i32
    %mul3A_10 = arith.muli %arg1, %mul3A_9 : i32
    %mul3A_11 = arith.constant 1024 : i32
    %mul3A_12 = arith.muli %arg1, %mul3A_11 : i32
    "tpu.region"() ({
      %run_scoped3A = tpu.sem_alloc : memref<!tpu.dma_semaphore, #tpu.memory_space<semaphore_mem>>
      %dma_start3A = arith.constant 0 : i32
      %dma_start3A_13 = tpu.memref_slice %arg5[%arg0, %mul3A_12, %dma_start3A] : memref<2x16384x16xf32, #tpu.memory_space<hbm>> -> memref<1x1024x16xf32, #tpu.memory_space<hbm>>
      %dma_start3A_14 = tpu.memref_squeeze %dma_start3A_13 : memref<1x1024x16xf32, #tpu.memory_space<hbm>> -> memref<1024x16xf32, #tpu.memory_space<hbm>>
      %dma_start3A_15 = arith.constant 0 : i32
      %dma_start3A_16 = tpu.memref_slice %arg6[%mul3A_10, %dma_start3A_15] : memref<16384x16xf32, #tpu.memory_space<vmem_shared>> -> memref<1024x16xf32, #tpu.memory_space<vmem_shared>>
      tpu.enqueue_dma source(%dma_start3A_16 : memref<1024x16xf32, #tpu.memory_space<vmem_shared>>) target(%dma_start3A_14 : memref<1024x16xf32, #tpu.memory_space<hbm>>) target_semaphore(%run_scoped3A : memref<!tpu.dma_semaphore, #tpu.memory_space<semaphore_mem>>)
      %dma_wait3A = arith.constant 0 : i32
      %dma_wait3A_17 = tpu.memref_slice %arg5[%arg0, %mul3A_12, %dma_wait3A] : memref<2x16384x16xf32, #tpu.memory_space<hbm>> -> memref<1x1024x16xf32, #tpu.memory_space<hbm>>
      %dma_wait3A_18 = tpu.memref_squeeze %dma_wait3A_17 : memref<1x1024x16xf32, #tpu.memory_space<hbm>> -> memref<1024x16xf32, #tpu.memory_space<hbm>>
      %dma_wait3A_19 = arith.constant 0 : i32
      %dma_wait3A_20 = tpu.memref_slice %arg6[%mul3A_10, %dma_wait3A_19] : memref<16384x16xf32, #tpu.memory_space<vmem_shared>> -> memref<1024x16xf32, #tpu.memory_space<vmem_shared>>
      tpu.wait_dma2 semaphore(%run_scoped3A : memref<!tpu.dma_semaphore, #tpu.memory_space<semaphore_mem>>) src(%dma_wait3A_20 : memref<1024x16xf32, #tpu.memory_space<vmem_shared>>) dst(%dma_wait3A_18 : memref<1024x16xf32, #tpu.memory_space<hbm>>)
      tpu.yield
    }) : () -> ()
    return
  }
}

module attributes {stable_mosaic.version = 14 : i64} {
  func.func @_tc_k1_body(%arg0: i32, %arg1: memref<256x256xf32, #tpu.memory_space<vmem>>, %arg2: memref<256x256xf32, #tpu.memory_space<vmem>>, %arg3: memref<1x256xf32, #tpu.memory_space<vmem>>, %arg4: memref<256x256xf32, #tpu.memory_space<vmem>>, %arg5: memref<2x32x128xf32, #tpu.memory_space<vmem>>, %arg6: memref<2x256x128xbf16, #tpu.memory_space<vmem>>) attributes {dimension_semantics = [#tpu.dimension_semantics<arbitrary>], iteration_bounds = array<i64: 64>, scalar_prefetch = 0 : i64, scratch_operands = 0 : i64, tpu.core_type = #tpu.core_type<tc>, window_params = [{transform_indices = @transform_0, window_bounds = array<i64: 256, 256>}, {pipeline_mode = #tpu.pipeline_mode<synchronous>, transform_indices = @transform_1, window_bounds = array<i64: 256, 256>}, {pipeline_mode = #tpu.pipeline_mode<synchronous>, transform_indices = @transform_2, window_bounds = array<i64: 1, 256>}, {pipeline_mode = #tpu.pipeline_mode<synchronous>, transform_indices = @transform_3, window_bounds = array<i64: 256, 256>}, {transform_indices = @transform_4, window_bounds = array<i64: 2, 32, 128>}, {transform_indices = @transform_5, window_bounds = array<i64: 2, 256, 128>}]} {
    %get3A = arith.constant 0 : index
    %get3A_0 = arith.constant 0 : index
    %get3A_1 = vector.load %arg1[%get3A, %get3A_0] : memref<256x256xf32, #tpu.memory_space<vmem>>, vector<256x256xf32>
    %convert_element_type3A = arith.truncf %get3A_1 : vector<256x256xf32> to vector<256x256xbf16>
    %get3A_2 = arith.constant 0 : index
    %get3A_3 = arith.constant 0 : index
    %get3A_4 = vector.load %arg2[%get3A_2, %get3A_3] : memref<256x256xf32, #tpu.memory_space<vmem>>, vector<256x256xf32>
    %convert_element_type3A_5 = arith.truncf %get3A_4 : vector<256x256xf32> to vector<256x256xbf16>
    %dot_general3A = arith.constant dense<0.000000e+00> : vector<256x256xf32>
    %dot_general3A_6 = tpu.matmul %convert_element_type3A, %convert_element_type3A_5, %dot_general3A {dimension_numbers = #tpu.dot_dimension_numbers<[1], [0], [0], [1], [0, 0, 1, 1], [], []>, transpose_lhs_hint = false} : vector<256x256xbf16>, vector<256x256xbf16>, vector<256x256xf32> -> vector<256x256xf32>
    %get3A_7 = arith.constant 0 : index
    %get3A_8 = arith.constant 0 : index
    %get3A_9 = vector.load %arg3[%get3A_7, %get3A_8] : memref<1x256xf32, #tpu.memory_space<vmem>>, vector<1x256xf32>
    %add3A = vector.broadcast %get3A_9 : vector<1x256xf32> to vector<256x256xf32>
    %add3A_10 = arith.addf %dot_general3A_6, %add3A : vector<256x256xf32>
    %convert_element_type3A_11 = arith.truncf %add3A_10 : vector<256x256xf32> to vector<256x256xbf16>
    %get3A_12 = arith.constant 0 : index
    %get3A_13 = arith.constant 0 : index
    %get3A_14 = vector.load %arg4[%get3A_12, %get3A_13] : memref<256x256xf32, #tpu.memory_space<vmem>>, vector<256x256xf32>
    %convert_element_type3A_15 = arith.truncf %get3A_14 : vector<256x256xf32> to vector<256x256xbf16>
    %dot_general3A_16 = arith.constant dense<0.000000e+00> : vector<256x256xf32>
    %dot_general3A_17 = tpu.matmul %convert_element_type3A_11, %convert_element_type3A_15, %dot_general3A_16 {dimension_numbers = #tpu.dot_dimension_numbers<[1], [0], [0], [1], [0, 0, 1, 1], [], []>, transpose_lhs_hint = false} : vector<256x256xbf16>, vector<256x256xbf16>, vector<256x256xf32> -> vector<256x256xf32>
    %get3A_18 = arith.constant 0 : index
    %get3A_19 = arith.constant 0 : index
    %get3A_20 = arith.constant 0 : index
    %get3A_21 = vector.load %arg5[%get3A_18, %get3A_19, %get3A_20] : memref<2x32x128xf32, #tpu.memory_space<vmem>>, vector<2x32x128xf32>
    %slice3A = vector.extract_strided_slice %get3A_21 {offsets = [0, 0, 0], sizes = [1, 32, 128], strides = [1, 1, 1]} : vector<2x32x128xf32> to vector<1x32x128xf32>
    %squeeze3A = vector.shape_cast %slice3A : vector<1x32x128xf32> to vector<32x128xf32>
    %slice3A_22 = vector.extract_strided_slice %get3A_21 {offsets = [1, 0, 0], sizes = [1, 32, 128], strides = [1, 1, 1]} : vector<2x32x128xf32> to vector<1x32x128xf32>
    %squeeze3A_23 = vector.shape_cast %slice3A_22 : vector<1x32x128xf32> to vector<32x128xf32>
    %add3A_24 = arith.addf %squeeze3A, %squeeze3A_23 : vector<32x128xf32>
    %add3A_25 = arith.constant 1.000000e+00 : f32
    %add3A_26 = vector.broadcast %add3A_25 : f32 to vector<32x128xf32>
    %add3A_27 = arith.addf %add3A_24, %add3A_26 : vector<32x128xf32>
    %iota3A = tpu.iota {dimensions = array<i32: 0>} : vector<256x32xi32>
    %iota3A_28 = tpu.iota {dimensions = array<i32: 1>} : vector<256x32xi32>
    %jit3A = arith.constant 8 : i32
    %div3A = vector.broadcast %jit3A : i32 to vector<256x32xi32>
    %div3A_29 = arith.divsi %iota3A, %div3A : vector<256x32xi32>
    %sign3A = arith.constant 0 : i32
    %sign3A_30 = vector.broadcast %sign3A : i32 to vector<256x32xi32>
    %sign3A_31 = arith.cmpi sgt, %iota3A, %sign3A_30 : vector<256x32xi32>
    %sign3A_32 = arith.extui %sign3A_31 : vector<256x32xi1> to vector<256x32xi32>
    %sign3A_33 = arith.constant 0 : i32
    %sign3A_34 = vector.broadcast %sign3A_33 : i32 to vector<256x32xi32>
    %sign3A_35 = arith.cmpi slt, %iota3A, %sign3A_34 : vector<256x32xi32>
    %sign3A_36 = arith.extui %sign3A_35 : vector<256x32xi1> to vector<256x32xi32>
    %sign3A_37 = arith.subi %sign3A_32, %sign3A_36 : vector<256x32xi32>
    %sign3A_38 = arith.constant 0 : i32
    %sign3A_39 = arith.cmpi sgt, %jit3A, %sign3A_38 : i32
    %sign3A_40 = arith.extui %sign3A_39 : i1 to i32
    %sign3A_41 = arith.constant 0 : i32
    %sign3A_42 = arith.cmpi slt, %jit3A, %sign3A_41 : i32
    %sign3A_43 = arith.extui %sign3A_42 : i1 to i32
    %sign3A_44 = arith.subi %sign3A_40, %sign3A_43 : i32
    %ne3A = vector.broadcast %sign3A_44 : i32 to vector<256x32xi32>
    %ne3A_45 = arith.cmpi ne, %sign3A_37, %ne3A : vector<256x32xi32>
    %rem3A = vector.broadcast %jit3A : i32 to vector<256x32xi32>
    %rem3A_46 = arith.remsi %iota3A, %rem3A : vector<256x32xi32>
    %ne3A_47 = arith.constant 0 : i32
    %ne3A_48 = vector.broadcast %ne3A_47 : i32 to vector<256x32xi32>
    %ne3A_49 = arith.cmpi ne, %rem3A_46, %ne3A_48 : vector<256x32xi32>
    %and3A = arith.andi %ne3A_45, %ne3A_49 : vector<256x32xi1>
    %sub3A = arith.constant 1 : i32
    %sub3A_50 = vector.broadcast %sub3A : i32 to vector<256x32xi32>
    %sub3A_51 = arith.subi %div3A_29, %sub3A_50 : vector<256x32xi32>
    %select_n3A = arith.select %and3A, %sub3A_51, %div3A_29 : vector<256x32xi1>, vector<256x32xi32>
    %eq3A = arith.cmpi eq, %select_n3A, %iota3A_28 : vector<256x32xi32>
    %convert_element_type3A_52 = arith.extui %eq3A : vector<256x32xi1> to vector<256x32xi32>
    %convert_element_type3A_53 = arith.sitofp %convert_element_type3A_52 : vector<256x32xi32> to vector<256x32xf32>
    %dot_general3A_54 = arith.constant dense<0.000000e+00> : vector<256x128xf32>
    %dot_general3A_55 = tpu.matmul %convert_element_type3A_53, %add3A_27, %dot_general3A_54 {dimension_numbers = #tpu.dot_dimension_numbers<[1], [0], [0], [1], [0, 0, 1, 1], [], []>, transpose_lhs_hint = false} : vector<256x32xf32>, vector<32x128xf32>, vector<256x128xf32> -> vector<256x128xf32>
    %iota3A_56 = tpu.iota {dimensions = array<i32: 0>} : vector<256x128xi32>
    %iota3A_57 = tpu.iota {dimensions = array<i32: 1>} : vector<256x128xi32>
    %jit3A_58 = arith.constant 8 : i32
    %eq3A_59 = arith.constant 0 : i32
    %eq3A_60 = arith.cmpi eq, %jit3A_58, %eq3A_59 : i32
    %jit3A_61 = arith.constant 1 : i32
    %select_n3A_62 = arith.select %eq3A_60, %jit3A_61, %jit3A_58 : i32
    %rem3A_63 = vector.broadcast %select_n3A_62 : i32 to vector<256x128xi32>
    %rem3A_64 = arith.remsi %iota3A_56, %rem3A_63 : vector<256x128xi32>
    %ne3A_65 = arith.constant 0 : i32
    %ne3A_66 = vector.broadcast %ne3A_65 : i32 to vector<256x128xi32>
    %ne3A_67 = arith.cmpi ne, %rem3A_64, %ne3A_66 : vector<256x128xi32>
    %lt3A = arith.constant 0 : i32
    %lt3A_68 = vector.broadcast %lt3A : i32 to vector<256x128xi32>
    %lt3A_69 = arith.cmpi slt, %rem3A_64, %lt3A_68 : vector<256x128xi32>
    %lt3A_70 = arith.constant 0 : i32
    %lt3A_71 = arith.cmpi slt, %select_n3A_62, %lt3A_70 : i32
    %ne3A_72 = vector.broadcast %lt3A_71 : i1 to vector<256x128xi1>
    %ne3A_73 = vector.broadcast %ne3A_72 : vector<256x128xi1> to vector<256x128xi1>
    %ne3A_74 = arith.xori %lt3A_69, %ne3A_73 : vector<256x128xi1>
    %and3A_75 = arith.andi %ne3A_74, %ne3A_67 : vector<256x128xi1>
    %add3A_76 = vector.broadcast %select_n3A_62 : i32 to vector<256x128xi32>
    %add3A_77 = arith.addi %rem3A_64, %add3A_76 : vector<256x128xi32>
    %select_n3A_78 = arith.select %and3A_75, %add3A_77, %rem3A_64 : vector<256x128xi1>, vector<256x128xi32>
    %mul3A = arith.constant 16 : i32
    %mul3A_79 = vector.broadcast %mul3A : i32 to vector<256x128xi32>
    %mul3A_80 = arith.muli %select_n3A_78, %mul3A_79 : vector<256x128xi32>
    %eq3A_81 = arith.cmpi eq, %iota3A_57, %mul3A_80 : vector<256x128xi32>
    %convert_element_type3A_82 = arith.extui %eq3A_81 : vector<256x128xi1> to vector<256x128xi32>
    %convert_element_type3A_83 = arith.sitofp %convert_element_type3A_82 : vector<256x128xi32> to vector<256x128xf32>
    %mul3A_84 = arith.mulf %dot_general3A_55, %convert_element_type3A_83 : vector<256x128xf32>
    %reduce_sum3A = arith.constant dense<0.000000e+00> : vector<256xf32>
    %reduce_sum3A_85 = vector.multi_reduction <add>, %mul3A_84, %reduce_sum3A [1] : vector<256x128xf32> to vector<256xf32>
    %broadcast_in_dim3A = vector.shape_cast %reduce_sum3A_85 : vector<256xf32> to vector<256x1xf32>
    %rsqrt3A = math.rsqrt %broadcast_in_dim3A : vector<256x1xf32>
    %mul3A_86 = vector.broadcast %rsqrt3A : vector<256x1xf32> to vector<256x256xf32>
    %mul3A_87 = arith.mulf %dot_general3A_17, %mul3A_86 : vector<256x256xf32>
    %convert_element_type3A_88 = arith.truncf %mul3A_87 : vector<256x256xf32> to vector<256x256xbf16>
    %slice3A_89 = vector.extract_strided_slice %convert_element_type3A_88 {offsets = [0, 0], sizes = [256, 128], strides = [1, 1]} : vector<256x256xbf16> to vector<256x128xbf16>
    %swap3A = arith.constant 0 : index
    %swap3A_90 = arith.constant 0 : index
    %swap3A_91 = arith.constant 0 : index
    %swap3A_92 = vector.load %arg6[%swap3A, %swap3A_90, %swap3A_91] : memref<2x256x128xbf16, #tpu.memory_space<vmem>>, vector<1x256x128xbf16>
    %swap3A_93 = vector.shape_cast %swap3A_92 : vector<1x256x128xbf16> to vector<256x128xbf16>
    %swap3A_94 = vector.shape_cast %slice3A_89 : vector<256x128xbf16> to vector<1x256x128xbf16>
    tpu.vector_store %arg6[%swap3A, %swap3A_90, %swap3A_91], %swap3A_94 {strides = array<i32>} : memref<2x256x128xbf16, #tpu.memory_space<vmem>>, vector<1x256x128xbf16>,
    %slice3A_95 = vector.extract_strided_slice %convert_element_type3A_88 {offsets = [0, 128], sizes = [256, 128], strides = [1, 1]} : vector<256x256xbf16> to vector<256x128xbf16>
    %swap3A_96 = arith.constant 1 : index
    %swap3A_97 = arith.constant 0 : index
    %swap3A_98 = arith.constant 0 : index
    %swap3A_99 = vector.load %arg6[%swap3A_96, %swap3A_97, %swap3A_98] : memref<2x256x128xbf16, #tpu.memory_space<vmem>>, vector<1x256x128xbf16>
    %swap3A_100 = vector.shape_cast %swap3A_99 : vector<1x256x128xbf16> to vector<256x128xbf16>
    %swap3A_101 = vector.shape_cast %slice3A_95 : vector<256x128xbf16> to vector<1x256x128xbf16>
    tpu.vector_store %arg6[%swap3A_96, %swap3A_97, %swap3A_98], %swap3A_101 {strides = array<i32>} : memref<2x256x128xbf16, #tpu.memory_space<vmem>>, vector<1x256x128xbf16>,
    return
  }
  func.func @transform_0(%arg0: i32) -> (i32, i32) {
    %c0_i32 = arith.constant 0 : i32
    %c0_i32_0 = arith.constant 0 : i32
    return %arg0, %c0_i32 : i32, i32
  }
  func.func @transform_1(%arg0: i32) -> (i32, i32) {
    %c0_i32 = arith.constant 0 : i32
    %c0_i32_0 = arith.constant 0 : i32
    %c0_i32_1 = arith.constant 0 : i32
    return %c0_i32, %c0_i32_0 : i32, i32
  }
  func.func @transform_2(%arg0: i32) -> (i32, i32) {
    %c0_i32 = arith.constant 0 : i32
    %c0_i32_0 = arith.constant 0 : i32
    %c0_i32_1 = arith.constant 0 : i32
    return %c0_i32, %c0_i32_0 : i32, i32
  }
  func.func @transform_3(%arg0: i32) -> (i32, i32) {
    %c0_i32 = arith.constant 0 : i32
    %c0_i32_0 = arith.constant 0 : i32
    %c0_i32_1 = arith.constant 0 : i32
    return %c0_i32, %c0_i32_0 : i32, i32
  }
  func.func @transform_4(%arg0: i32) -> (i32, i32, i32) {
    %c0_i32 = arith.constant 0 : i32
    %c0_i32_0 = arith.constant 0 : i32
    %c0_i32_1 = arith.constant 0 : i32
    return %c0_i32, %arg0, %c0_i32_0 : i32, i32, i32
  }
  func.func @transform_5(%arg0: i32) -> (i32, i32, i32) {
    %c0_i32 = arith.constant 0 : i32
    %c0_i32_0 = arith.constant 0 : i32
    %c0_i32_1 = arith.constant 0 : i32
    return %c0_i32, %arg0, %c0_i32_0 : i32, i32, i32
  }
}

module attributes {stable_mosaic.version = 14 : i64} {
  func.func @_tc_k2_body(%arg0: i32, %arg1: memref<2x1x1024x128xbf16, #tpu.memory_space<vmem>>, %arg2: memref<2x128x128xf32, #tpu.memory_space<vmem>>, %arg3: memref<1x256xf32, #tpu.memory_space<vmem>>, %arg4: memref<256x256xf32, #tpu.memory_space<vmem>>, %arg5: memref<1x256xf32, #tpu.memory_space<vmem>>, %arg6: memref<256x256xf32, #tpu.memory_space<vmem>>, %arg7: memref<1x256xf32, #tpu.memory_space<vmem>>, %arg8: memref<1x128x256xf32, #tpu.memory_space<vmem>>, %arg9: memref<1x1024x128xf32, #tpu.memory_space<vmem>>, %arg10: memref<256x256xf32, #tpu.memory_space<vmem>>, %arg11: memref<1x256xf32, #tpu.memory_space<vmem>>, %arg12: memref<256x256xf32, #tpu.memory_space<vmem>>, %arg13: memref<1x256xf32, #tpu.memory_space<vmem>>, %arg14: memref<256x256xf32, #tpu.memory_space<vmem>>, %arg15: memref<1x256xf32, #tpu.memory_space<vmem>>, %arg16: memref<256x64xf32, #tpu.memory_space<vmem>>, %arg17: memref<1x64xf32, #tpu.memory_space<vmem>>, %arg18: memref<1x1x64xf32, #tpu.memory_space<vmem>>) attributes {dimension_semantics = [#tpu.dimension_semantics<arbitrary>], iteration_bounds = array<i64: 16>, scalar_prefetch = 0 : i64, scratch_operands = 0 : i64, tpu.core_type = #tpu.core_type<tc>, window_params = [{transform_indices = @transform_0, window_bounds = array<i64: 2, 1, 1024, 128>}, {transform_indices = @transform_1, window_bounds = array<i64: 2, 128, 128>}, {pipeline_mode = #tpu.pipeline_mode<synchronous>, transform_indices = @transform_2, window_bounds = array<i64: 1, 256>}, {pipeline_mode = #tpu.pipeline_mode<synchronous>, transform_indices = @transform_3, window_bounds = array<i64: 256, 256>}, {pipeline_mode = #tpu.pipeline_mode<synchronous>, transform_indices = @transform_4, window_bounds = array<i64: 1, 256>}, {pipeline_mode = #tpu.pipeline_mode<synchronous>, transform_indices = @transform_5, window_bounds = array<i64: 256, 256>}, {pipeline_mode = #tpu.pipeline_mode<synchronous>, transform_indices = @transform_6, window_bounds = array<i64: 1, 256>}, {transform_indices = @transform_7, window_bounds = array<i64: 1, 128, 256>}, {transform_indices = @transform_8, window_bounds = array<i64: 1, 1024, 128>}, {pipeline_mode = #tpu.pipeline_mode<synchronous>, transform_indices = @transform_9, window_bounds = array<i64: 256, 256>}, {pipeline_mode = #tpu.pipeline_mode<synchronous>, transform_indices = @transform_10, window_bounds = array<i64: 1, 256>}, {pipeline_mode = #tpu.pipeline_mode<synchronous>, transform_indices = @transform_11, window_bounds = array<i64: 256, 256>}, {pipeline_mode = #tpu.pipeline_mode<synchronous>, transform_indices = @transform_12, window_bounds = array<i64: 1, 256>}, {pipeline_mode = #tpu.pipeline_mode<synchronous>, transform_indices = @transform_13, window_bounds = array<i64: 256, 256>}, {pipeline_mode = #tpu.pipeline_mode<synchronous>, transform_indices = @transform_14, window_bounds = array<i64: 1, 256>}, {pipeline_mode = #tpu.pipeline_mode<synchronous>, transform_indices = @transform_15, window_bounds = array<i64: 256, 64>}, {pipeline_mode = #tpu.pipeline_mode<synchronous>, transform_indices = @transform_16, window_bounds = array<i64: 1, 64>}, {transform_indices = @transform_17, window_bounds = array<i64: 1, 1, 64>}]} {
    %get3A = arith.constant 0 : index
    %get3A_0 = arith.constant 0 : index
    %get3A_1 = arith.constant 0 : index
    %get3A_2 = arith.constant 0 : index
    %get3A_3 = vector.load %arg1[%get3A, %get3A_0, %get3A_1, %get3A_2] : memref<2x1x1024x128xbf16, #tpu.memory_space<vmem>>, vector<1x1x1024x128xbf16>
    %get3A_4 = vector.shape_cast %get3A_3 : vector<1x1x1024x128xbf16> to vector<1024x128xbf16>
    %get3A_5 = arith.constant 1 : index
    %get3A_6 = arith.constant 0 : index
    %get3A_7 = arith.constant 0 : index
    %get3A_8 = arith.constant 0 : index
    %get3A_9 = vector.load %arg1[%get3A_5, %get3A_6, %get3A_7, %get3A_8] : memref<2x1x1024x128xbf16, #tpu.memory_space<vmem>>, vector<1x1x1024x128xbf16>
    %get3A_10 = vector.shape_cast %get3A_9 : vector<1x1x1024x128xbf16> to vector<1024x128xbf16>
    %concatenate3A = tpu.concatenate %get3A_4, %get3A_10 in 1 : vector<1024x128xbf16>, vector<1024x128xbf16> -> vector<1024x256xbf16>
    %convert_element_type3A = arith.extf %concatenate3A : vector<1024x256xbf16> to vector<1024x256xf32>
    %get3A_11 = arith.constant 0 : index
    %get3A_12 = arith.constant 0 : index
    %get3A_13 = arith.constant 0 : index
    %get3A_14 = vector.load %arg2[%get3A_11, %get3A_12, %get3A_13] : memref<2x128x128xf32, #tpu.memory_space<vmem>>, vector<2x128x128xf32>
    %slice3A = vector.extract_strided_slice %get3A_14 {offsets = [0, 0, 0], sizes = [1, 128, 128], strides = [1, 1, 1]} : vector<2x128x128xf32> to vector<1x128x128xf32>
    %squeeze3A = vector.shape_cast %slice3A : vector<1x128x128xf32> to vector<128x128xf32>
    %slice3A_15 = vector.extract_strided_slice %get3A_14 {offsets = [1, 0, 0], sizes = [1, 128, 128], strides = [1, 1, 1]} : vector<2x128x128xf32> to vector<1x128x128xf32>
    %squeeze3A_16 = vector.shape_cast %slice3A_15 : vector<1x128x128xf32> to vector<128x128xf32>
    %add3A = arith.addf %squeeze3A, %squeeze3A_16 : vector<128x128xf32>
    %add3A_17 = arith.constant 1.000000e+00 : f32
    %add3A_18 = vector.broadcast %add3A_17 : f32 to vector<128x128xf32>
    %add3A_19 = arith.addf %add3A, %add3A_18 : vector<128x128xf32>
    %iota3A = tpu.iota {dimensions = array<i32: 0>} : vector<1024x128xi32>
    %iota3A_20 = tpu.iota {dimensions = array<i32: 1>} : vector<1024x128xi32>
    %jit3A = arith.constant 8 : i32
    %div3A = vector.broadcast %jit3A : i32 to vector<1024x128xi32>
    %div3A_21 = arith.divsi %iota3A, %div3A : vector<1024x128xi32>
    %sign3A = arith.constant 0 : i32
    %sign3A_22 = vector.broadcast %sign3A : i32 to vector<1024x128xi32>
    %sign3A_23 = arith.cmpi sgt, %iota3A, %sign3A_22 : vector<1024x128xi32>
    %sign3A_24 = arith.extui %sign3A_23 : vector<1024x128xi1> to vector<1024x128xi32>
    %sign3A_25 = arith.constant 0 : i32
    %sign3A_26 = vector.broadcast %sign3A_25 : i32 to vector<1024x128xi32>
    %sign3A_27 = arith.cmpi slt, %iota3A, %sign3A_26 : vector<1024x128xi32>
    %sign3A_28 = arith.extui %sign3A_27 : vector<1024x128xi1> to vector<1024x128xi32>
    %sign3A_29 = arith.subi %sign3A_24, %sign3A_28 : vector<1024x128xi32>
    %sign3A_30 = arith.constant 0 : i32
    %sign3A_31 = arith.cmpi sgt, %jit3A, %sign3A_30 : i32
    %sign3A_32 = arith.extui %sign3A_31 : i1 to i32
    %sign3A_33 = arith.constant 0 : i32
    %sign3A_34 = arith.cmpi slt, %jit3A, %sign3A_33 : i32
    %sign3A_35 = arith.extui %sign3A_34 : i1 to i32
    %sign3A_36 = arith.subi %sign3A_32, %sign3A_35 : i32
    %ne3A = vector.broadcast %sign3A_36 : i32 to vector<1024x128xi32>
    %ne3A_37 = arith.cmpi ne, %sign3A_29, %ne3A : vector<1024x128xi32>
    %rem3A = vector.broadcast %jit3A : i32 to vector<1024x128xi32>
    %rem3A_38 = arith.remsi %iota3A, %rem3A : vector<1024x128xi32>
    %ne3A_39 = arith.constant 0 : i32
    %ne3A_40 = vector.broadcast %ne3A_39 : i32 to vector<1024x128xi32>
    %ne3A_41 = arith.cmpi ne, %rem3A_38, %ne3A_40 : vector<1024x128xi32>
    %and3A = arith.andi %ne3A_37, %ne3A_41 : vector<1024x128xi1>
    %sub3A = arith.constant 1 : i32
    %sub3A_42 = vector.broadcast %sub3A : i32 to vector<1024x128xi32>
    %sub3A_43 = arith.subi %div3A_21, %sub3A_42 : vector<1024x128xi32>
    %select_n3A = arith.select %and3A, %sub3A_43, %div3A_21 : vector<1024x128xi1>, vector<1024x128xi32>
    %eq3A = arith.cmpi eq, %select_n3A, %iota3A_20 : vector<1024x128xi32>
    %convert_element_type3A_44 = arith.extui %eq3A : vector<1024x128xi1> to vector<1024x128xi32>
    %convert_element_type3A_45 = arith.sitofp %convert_element_type3A_44 : vector<1024x128xi32> to vector<1024x128xf32>
    %dot_general3A = arith.constant dense<0.000000e+00> : vector<1024x128xf32>
    %dot_general3A_46 = tpu.matmul %convert_element_type3A_45, %add3A_19, %dot_general3A {dimension_numbers = #tpu.dot_dimension_numbers<[1], [0], [0], [1], [0, 0, 1, 1], [], []>, transpose_lhs_hint = false} : vector<1024x128xf32>, vector<128x128xf32>, vector<1024x128xf32> -> vector<1024x128xf32>
    %iota3A_47 = tpu.iota {dimensions = array<i32: 0>} : vector<1024x128xi32>
    %iota3A_48 = tpu.iota {dimensions = array<i32: 1>} : vector<1024x128xi32>
    %jit3A_49 = arith.constant 8 : i32
    %eq3A_50 = arith.constant 0 : i32
    %eq3A_51 = arith.cmpi eq, %jit3A_49, %eq3A_50 : i32
    %jit3A_52 = arith.constant 1 : i32
    %select_n3A_53 = arith.select %eq3A_51, %jit3A_52, %jit3A_49 : i32
    %rem3A_54 = vector.broadcast %select_n3A_53 : i32 to vector<1024x128xi32>
    %rem3A_55 = arith.remsi %iota3A_47, %rem3A_54 : vector<1024x128xi32>
    %ne3A_56 = arith.constant 0 : i32
    %ne3A_57 = vector.broadcast %ne3A_56 : i32 to vector<1024x128xi32>
    %ne3A_58 = arith.cmpi ne, %rem3A_55, %ne3A_57 : vector<1024x128xi32>
    %lt3A = arith.constant 0 : i32
    %lt3A_59 = vector.broadcast %lt3A : i32 to vector<1024x128xi32>
    %lt3A_60 = arith.cmpi slt, %rem3A_55, %lt3A_59 : vector<1024x128xi32>
    %lt3A_61 = arith.constant 0 : i32
    %lt3A_62 = arith.cmpi slt, %select_n3A_53, %lt3A_61 : i32
    %ne3A_63 = vector.broadcast %lt3A_62 : i1 to vector<1024x128xi1>
    %ne3A_64 = vector.broadcast %ne3A_63 : vector<1024x128xi1> to vector<1024x128xi1>
    %ne3A_65 = arith.xori %lt3A_60, %ne3A_64 : vector<1024x128xi1>
    %and3A_66 = arith.andi %ne3A_65, %ne3A_58 : vector<1024x128xi1>
    %add3A_67 = vector.broadcast %select_n3A_53 : i32 to vector<1024x128xi32>
    %add3A_68 = arith.addi %rem3A_55, %add3A_67 : vector<1024x128xi32>
    %select_n3A_69 = arith.select %and3A_66, %add3A_68, %rem3A_55 : vector<1024x128xi1>, vector<1024x128xi32>
    %mul3A = arith.constant 16 : i32
    %mul3A_70 = vector.broadcast %mul3A : i32 to vector<1024x128xi32>
    %mul3A_71 = arith.muli %select_n3A_69, %mul3A_70 : vector<1024x128xi32>
    %eq3A_72 = arith.cmpi eq, %iota3A_48, %mul3A_71 : vector<1024x128xi32>
    %convert_element_type3A_73 = arith.extui %eq3A_72 : vector<1024x128xi1> to vector<1024x128xi32>
    %convert_element_type3A_74 = arith.sitofp %convert_element_type3A_73 : vector<1024x128xi32> to vector<1024x128xf32>
    %mul3A_75 = arith.mulf %dot_general3A_46, %convert_element_type3A_74 : vector<1024x128xf32>
    %reduce_sum3A = arith.constant dense<0.000000e+00> : vector<1024xf32>
    %reduce_sum3A_76 = vector.multi_reduction <add>, %mul3A_75, %reduce_sum3A [1] : vector<1024x128xf32> to vector<1024xf32>
    %broadcast_in_dim3A = vector.shape_cast %reduce_sum3A_76 : vector<1024xf32> to vector<1024x1xf32>
    %rsqrt3A = math.rsqrt %broadcast_in_dim3A : vector<1024x1xf32>
    %mul3A_77 = vector.broadcast %rsqrt3A : vector<1024x1xf32> to vector<1024x256xf32>
    %mul3A_78 = arith.mulf %convert_element_type3A, %mul3A_77 : vector<1024x256xf32>
    %get3A_79 = arith.constant 0 : index
    %get3A_80 = arith.constant 0 : index
    %get3A_81 = vector.load %arg3[%get3A_79, %get3A_80] : memref<1x256xf32, #tpu.memory_space<vmem>>, vector<1x256xf32>
    %add3A_82 = vector.broadcast %get3A_81 : vector<1x256xf32> to vector<1024x256xf32>
    %add3A_83 = arith.addf %mul3A_78, %add3A_82 : vector<1024x256xf32>
    %max3A = arith.constant 0.000000e+00 : f32
    %max3A_84 = vector.broadcast %max3A : f32 to vector<1024x256xf32>
    %max3A_85 = arith.maximumf %add3A_83, %max3A_84 : vector<1024x256xf32>
    %convert_element_type3A_86 = arith.truncf %max3A_85 : vector<1024x256xf32> to vector<1024x256xbf16>
    %get3A_87 = arith.constant 0 : index
    %get3A_88 = arith.constant 0 : index
    %get3A_89 = vector.load %arg4[%get3A_87, %get3A_88] : memref<256x256xf32, #tpu.memory_space<vmem>>, vector<256x256xf32>
    %convert_element_type3A_90 = arith.truncf %get3A_89 : vector<256x256xf32> to vector<256x256xbf16>
    %dot_general3A_91 = arith.constant dense<0.000000e+00> : vector<1024x256xf32>
    %dot_general3A_92 = tpu.matmul %convert_element_type3A_86, %convert_element_type3A_90, %dot_general3A_91 {dimension_numbers = #tpu.dot_dimension_numbers<[1], [0], [0], [1], [0, 0, 1, 1], [], []>, transpose_lhs_hint = false} : vector<1024x256xbf16>, vector<256x256xbf16>, vector<1024x256xf32> -> vector<1024x256xf32>
    %get3A_93 = arith.constant 0 : index
    %get3A_94 = arith.constant 0 : index
    %get3A_95 = vector.load %arg5[%get3A_93, %get3A_94] : memref<1x256xf32, #tpu.memory_space<vmem>>, vector<1x256xf32>
    %add3A_96 = vector.broadcast %get3A_95 : vector<1x256xf32> to vector<1024x256xf32>
    %add3A_97 = arith.addf %dot_general3A_92, %add3A_96 : vector<1024x256xf32>
    %max3A_98 = arith.constant 0.000000e+00 : f32
    %max3A_99 = vector.broadcast %max3A_98 : f32 to vector<1024x256xf32>
    %max3A_100 = arith.maximumf %add3A_97, %max3A_99 : vector<1024x256xf32>
    %convert_element_type3A_101 = arith.truncf %max3A_100 : vector<1024x256xf32> to vector<1024x256xbf16>
    %get3A_102 = arith.constant 0 : index
    %get3A_103 = arith.constant 0 : index
    %get3A_104 = vector.load %arg6[%get3A_102, %get3A_103] : memref<256x256xf32, #tpu.memory_space<vmem>>, vector<256x256xf32>
    %convert_element_type3A_105 = arith.truncf %get3A_104 : vector<256x256xf32> to vector<256x256xbf16>
    %dot_general3A_106 = arith.constant dense<0.000000e+00> : vector<1024x256xf32>
    %dot_general3A_107 = tpu.matmul %convert_element_type3A_101, %convert_element_type3A_105, %dot_general3A_106 {dimension_numbers = #tpu.dot_dimension_numbers<[1], [0], [0], [1], [0, 0, 1, 1], [], []>, transpose_lhs_hint = false} : vector<1024x256xbf16>, vector<256x256xbf16>, vector<1024x256xf32> -> vector<1024x256xf32>
    %get3A_108 = arith.constant 0 : index
    %get3A_109 = arith.constant 0 : index
    %get3A_110 = vector.load %arg7[%get3A_108, %get3A_109] : memref<1x256xf32, #tpu.memory_space<vmem>>, vector<1x256xf32>
    %add3A_111 = vector.broadcast %get3A_110 : vector<1x256xf32> to vector<1024x256xf32>
    %add3A_112 = arith.addf %dot_general3A_107, %add3A_111 : vector<1024x256xf32>
    %convert_element_type3A_113 = arith.truncf %add3A_112 : vector<1024x256xf32> to vector<1024x256xbf16>
    %get3A_114 = arith.constant 0 : index
    %get3A_115 = arith.constant 0 : index
    %get3A_116 = arith.constant 0 : index
    %get3A_117 = vector.load %arg8[%get3A_114, %get3A_115, %get3A_116] : memref<1x128x256xf32, #tpu.memory_space<vmem>>, vector<1x128x256xf32>
    %get3A_118 = vector.shape_cast %get3A_117 : vector<1x128x256xf32> to vector<128x256xf32>
    %convert_element_type3A_119 = arith.truncf %get3A_118 : vector<128x256xf32> to vector<128x256xbf16>
    %dot_general3A_120 = arith.constant dense<0.000000e+00> : vector<1024x128xf32>
    %dot_general3A_121 = tpu.matmul %convert_element_type3A_113, %convert_element_type3A_119, %dot_general3A_120 {dimension_numbers = #tpu.dot_dimension_numbers<[1], [1], [0], [0], [0, 0, 1, 0], [], []>, transpose_lhs_hint = false} : vector<1024x256xbf16>, vector<128x256xbf16>, vector<1024x128xf32> -> vector<1024x128xf32>
    %mul3A_122 = arith.constant 6.250000e-02 : f32
    %mul3A_123 = vector.broadcast %mul3A_122 : f32 to vector<1024x128xf32>
    %mul3A_124 = arith.mulf %dot_general3A_121, %mul3A_123 : vector<1024x128xf32>
    %get3A_125 = arith.constant 0 : index
    %get3A_126 = arith.constant 0 : index
    %get3A_127 = arith.constant 0 : index
    %get3A_128 = vector.load %arg9[%get3A_125, %get3A_126, %get3A_127] : memref<1x1024x128xf32, #tpu.memory_space<vmem>>, vector<1x1024x128xf32>
    %get3A_129 = vector.shape_cast %get3A_128 : vector<1x1024x128xf32> to vector<1024x128xf32>
    %logistic3A = arith.negf %mul3A_124 : vector<1024x128xf32>
    %logistic3A_130 = math.exp %logistic3A : vector<1024x128xf32>
    %logistic3A_131 = arith.constant 1.000000e+00 : f32
    %logistic3A_132 = vector.broadcast %logistic3A_131 : f32 to vector<1024x128xf32>
    %logistic3A_133 = arith.addf %logistic3A_132, %logistic3A_130 : vector<1024x128xf32>
    %logistic3A_134 = arith.divf %logistic3A_132, %logistic3A_133 : vector<1024x128xf32>
    %add3A_135 = arith.constant 1.000000e+00 : f32
    %add3A_136 = vector.broadcast %add3A_135 : f32 to vector<1024x128xf32>
    %add3A_137 = arith.addf %add3A_136, %logistic3A_134 : vector<1024x128xf32>
    %mul3A_138 = arith.mulf %get3A_129, %add3A_137 : vector<1024x128xf32>
    %reduce_sum3A_139 = arith.constant dense<0.000000e+00> : vector<1024xf32>
    %reduce_sum3A_140 = vector.multi_reduction <add>, %mul3A_138, %reduce_sum3A_139 [1] : vector<1024x128xf32> to vector<1024xf32>
    %broadcast_in_dim3A_141 = vector.shape_cast %reduce_sum3A_140 : vector<1024xf32> to vector<1024x1xf32>
    %eq3A_142 = arith.constant 0.000000e+00 : f32
    %eq3A_143 = vector.broadcast %eq3A_142 : f32 to vector<1024x1xf32>
    %eq3A_144 = arith.cmpf oeq, %broadcast_in_dim3A_141, %eq3A_143 : vector<1024x1xf32>
    %jit3A_145 = arith.constant 1.000000e+00 : f32
    %broadcast_in_dim3A_146 = vector.broadcast %jit3A_145 : f32 to vector<1024x1xf32>
    %select_n3A_147 = arith.select %eq3A_144, %broadcast_in_dim3A_146, %broadcast_in_dim3A_141 : vector<1024x1xi1>, vector<1024x1xf32>
    %div3A_148 = vector.broadcast %select_n3A_147 : vector<1024x1xf32> to vector<1024x128xf32>
    %div3A_149 = arith.divf %mul3A_138, %div3A_148 : vector<1024x128xf32>
    %convert_element_type3A_150 = arith.truncf %div3A_149 : vector<1024x128xf32> to vector<1024x128xbf16>
    %dot_general3A_151 = arith.constant dense<0.000000e+00> : vector<128x256xf32>
    %dot_general3A_152 = tpu.matmul %convert_element_type3A_150, %convert_element_type3A_86, %dot_general3A_151 {dimension_numbers = #tpu.dot_dimension_numbers<[0], [0], [1], [1], [0, 1, 1, 1], [], []>, transpose_lhs_hint = false} : vector<1024x128xbf16>, vector<1024x256xbf16>, vector<128x256xf32> -> vector<128x256xf32>
    %convert_element_type3A_153 = arith.truncf %dot_general3A_152 : vector<128x256xf32> to vector<128x256xbf16>
    %get3A_154 = arith.constant 0 : index
    %get3A_155 = arith.constant 0 : index
    %get3A_156 = vector.load %arg10[%get3A_154, %get3A_155] : memref<256x256xf32, #tpu.memory_space<vmem>>, vector<256x256xf32>
    %convert_element_type3A_157 = arith.truncf %get3A_156 : vector<256x256xf32> to vector<256x256xbf16>
    %dot_general3A_158 = arith.constant dense<0.000000e+00> : vector<128x256xf32>
    %dot_general3A_159 = tpu.matmul %convert_element_type3A_153, %convert_element_type3A_157, %dot_general3A_158 {dimension_numbers = #tpu.dot_dimension_numbers<[1], [0], [0], [1], [0, 0, 1, 1], [], []>, transpose_lhs_hint = false} : vector<128x256xbf16>, vector<256x256xbf16>, vector<128x256xf32> -> vector<128x256xf32>
    %get3A_160 = arith.constant 0 : index
    %get3A_161 = arith.constant 0 : index
    %get3A_162 = vector.load %arg11[%get3A_160, %get3A_161] : memref<1x256xf32, #tpu.memory_space<vmem>>, vector<1x256xf32>
    %add3A_163 = vector.broadcast %get3A_162 : vector<1x256xf32> to vector<128x256xf32>
    %add3A_164 = arith.addf %dot_general3A_159, %add3A_163 : vector<128x256xf32>
    %max3A_165 = arith.constant 0.000000e+00 : f32
    %max3A_166 = vector.broadcast %max3A_165 : f32 to vector<128x256xf32>
    %max3A_167 = arith.maximumf %add3A_164, %max3A_166 : vector<128x256xf32>
    %convert_element_type3A_168 = arith.truncf %max3A_167 : vector<128x256xf32> to vector<128x256xbf16>
    %get3A_169 = arith.constant 0 : index
    %get3A_170 = arith.constant 0 : index
    %get3A_171 = vector.load %arg12[%get3A_169, %get3A_170] : memref<256x256xf32, #tpu.memory_space<vmem>>, vector<256x256xf32>
    %convert_element_type3A_172 = arith.truncf %get3A_171 : vector<256x256xf32> to vector<256x256xbf16>
    %dot_general3A_173 = arith.constant dense<0.000000e+00> : vector<128x256xf32>
    %dot_general3A_174 = tpu.matmul %convert_element_type3A_168, %convert_element_type3A_172, %dot_general3A_173 {dimension_numbers = #tpu.dot_dimension_numbers<[1], [0], [0], [1], [0, 0, 1, 1], [], []>, transpose_lhs_hint = false} : vector<128x256xbf16>, vector<256x256xbf16>, vector<128x256xf32> -> vector<128x256xf32>
    %get3A_175 = arith.constant 0 : index
    %get3A_176 = arith.constant 0 : index
    %get3A_177 = vector.load %arg13[%get3A_175, %get3A_176] : memref<1x256xf32, #tpu.memory_space<vmem>>, vector<1x256xf32>
    %add3A_178 = vector.broadcast %get3A_177 : vector<1x256xf32> to vector<128x256xf32>
    %add3A_179 = arith.addf %dot_general3A_174, %add3A_178 : vector<128x256xf32>
    %reduce_sum3A_180 = arith.constant dense<0.000000e+00> : vector<256xf32>
    %reduce_sum3A_181 = vector.multi_reduction <add>, %add3A_179, %reduce_sum3A_180 [0] : vector<128x256xf32> to vector<256xf32>
    %broadcast_in_dim3A_182 = vector.shape_cast %reduce_sum3A_181 : vector<256xf32> to vector<1x256xf32>
    %div3A_183 = arith.constant 1.280000e+02 : f32
    %div3A_184 = vector.broadcast %div3A_183 : f32 to vector<1x256xf32>
    %div3A_185 = arith.divf %broadcast_in_dim3A_182, %div3A_184 : vector<1x256xf32>
    %get3A_186 = arith.constant 0 : index
    %get3A_187 = arith.constant 0 : index
    %get3A_188 = vector.load %arg14[%get3A_186, %get3A_187] : memref<256x256xf32, #tpu.memory_space<vmem>>, vector<256x256xf32>
    %dot_general3A_189 = arith.constant dense<0.000000e+00> : vector<1x256xf32>
    %dot_general3A_190 = tpu.matmul %div3A_185, %get3A_188, %dot_general3A_189 {dimension_numbers = #tpu.dot_dimension_numbers<[1], [0], [0], [1], [0, 0, 1, 1], [], []>, transpose_lhs_hint = false} : vector<1x256xf32>, vector<256x256xf32>, vector<1x256xf32> -> vector<1x256xf32>
    %get3A_191 = arith.constant 0 : index
    %get3A_192 = arith.constant 0 : index
    %get3A_193 = vector.load %arg15[%get3A_191, %get3A_192] : memref<1x256xf32, #tpu.memory_space<vmem>>, vector<1x256xf32>
    %add3A_194 = arith.addf %dot_general3A_190, %get3A_193 : vector<1x256xf32>
    %max3A_195 = arith.constant 0.000000e+00 : f32
    %max3A_196 = vector.broadcast %max3A_195 : f32 to vector<1x256xf32>
    %max3A_197 = arith.maximumf %add3A_194, %max3A_196 : vector<1x256xf32>
    %get3A_198 = arith.constant 0 : index
    %get3A_199 = arith.constant 0 : index
    %get3A_200 = vector.load %arg16[%get3A_198, %get3A_199] : memref<256x64xf32, #tpu.memory_space<vmem>>, vector<256x64xf32>
    %dot_general3A_201 = arith.constant dense<0.000000e+00> : vector<1x64xf32>
    %dot_general3A_202 = tpu.matmul %max3A_197, %get3A_200, %dot_general3A_201 {dimension_numbers = #tpu.dot_dimension_numbers<[1], [0], [0], [1], [0, 0, 1, 1], [], []>, transpose_lhs_hint = false} : vector<1x256xf32>, vector<256x64xf32>, vector<1x64xf32> -> vector<1x64xf32>
    %get3A_203 = arith.constant 0 : index
    %get3A_204 = arith.constant 0 : index
    %get3A_205 = vector.load %arg17[%get3A_203, %get3A_204] : memref<1x64xf32, #tpu.memory_space<vmem>>, vector<1x64xf32>
    %add3A_206 = arith.addf %dot_general3A_202, %get3A_205 : vector<1x64xf32>
    %swap3A = arith.constant 0 : index
    %swap3A_207 = arith.constant 0 : index
    %swap3A_208 = arith.constant 0 : index
    %swap3A_209 = vector.load %arg18[%swap3A, %swap3A_207, %swap3A_208] : memref<1x1x64xf32, #tpu.memory_space<vmem>>, vector<1x1x64xf32>
    %swap3A_210 = vector.shape_cast %swap3A_209 : vector<1x1x64xf32> to vector<1x64xf32>
    %swap3A_211 = vector.shape_cast %add3A_206 : vector<1x64xf32> to vector<1x1x64xf32>
    tpu.vector_store %arg18[%swap3A, %swap3A_207, %swap3A_208], %swap3A_211 {strides = array<i32>} : memref<1x1x64xf32, #tpu.memory_space<vmem>>, vector<1x1x64xf32>,
    return
  }
  func.func @transform_0(%arg0: i32) -> (i32, i32, i32, i32) {
    %c0_i32 = arith.constant 0 : i32
    %c0_i32_0 = arith.constant 0 : i32
    %c0_i32_1 = arith.constant 0 : i32
    %c0_i32_2 = arith.constant 0 : i32
    return %c0_i32, %arg0, %c0_i32_0, %c0_i32_1 : i32, i32, i32, i32
  }
  func.func @transform_1(%arg0: i32) -> (i32, i32, i32) {
    %c0_i32 = arith.constant 0 : i32
    %c0_i32_0 = arith.constant 0 : i32
    %c0_i32_1 = arith.constant 0 : i32
    return %c0_i32, %arg0, %c0_i32_0 : i32, i32, i32
  }
  func.func @transform_2(%arg0: i32) -> (i32, i32) {
    %c0_i32 = arith.constant 0 : i32
    %c0_i32_0 = arith.constant 0 : i32
    %c0_i32_1 = arith.constant 0 : i32
    return %c0_i32, %c0_i32_0 : i32, i32
  }
  func.func @transform_3(%arg0: i32) -> (i32, i32) {
    %c0_i32 = arith.constant 0 : i32
    %c0_i32_0 = arith.constant 0 : i32
    %c0_i32_1 = arith.constant 0 : i32
    return %c0_i32, %c0_i32_0 : i32, i32
  }
  func.func @transform_4(%arg0: i32) -> (i32, i32) {
    %c0_i32 = arith.constant 0 : i32
    %c0_i32_0 = arith.constant 0 : i32
    %c0_i32_1 = arith.constant 0 : i32
    return %c0_i32, %c0_i32_0 : i32, i32
  }
  func.func @transform_5(%arg0: i32) -> (i32, i32) {
    %c0_i32 = arith.constant 0 : i32
    %c0_i32_0 = arith.constant 0 : i32
    %c0_i32_1 = arith.constant 0 : i32
    return %c0_i32, %c0_i32_0 : i32, i32
  }
  func.func @transform_6(%arg0: i32) -> (i32, i32) {
    %c0_i32 = arith.constant 0 : i32
    %c0_i32_0 = arith.constant 0 : i32
    %c0_i32_1 = arith.constant 0 : i32
    return %c0_i32, %c0_i32_0 : i32, i32
  }
  func.func @transform_7(%arg0: i32) -> (i32, i32, i32) {
    %c0_i32 = arith.constant 0 : i32
    %c0_i32_0 = arith.constant 0 : i32
    %c0_i32_1 = arith.constant 0 : i32
    return %arg0, %c0_i32, %c0_i32_0 : i32, i32, i32
  }
  func.func @transform_8(%arg0: i32) -> (i32, i32, i32) {
    %c0_i32 = arith.constant 0 : i32
    %c0_i32_0 = arith.constant 0 : i32
    %c0_i32_1 = arith.constant 0 : i32
    return %arg0, %c0_i32, %c0_i32_0 : i32, i32, i32
  }
  func.func @transform_9(%arg0: i32) -> (i32, i32) {
    %c0_i32 = arith.constant 0 : i32
    %c0_i32_0 = arith.constant 0 : i32
    %c0_i32_1 = arith.constant 0 : i32
    return %c0_i32, %c0_i32_0 : i32, i32
  }
  func.func @transform_10(%arg0: i32) -> (i32, i32) {
    %c0_i32 = arith.constant 0 : i32
    %c0_i32_0 = arith.constant 0 : i32
    %c0_i32_1 = arith.constant 0 : i32
    return %c0_i32, %c0_i32_0 : i32, i32
  }
  func.func @transform_11(%arg0: i32) -> (i32, i32) {
    %c0_i32 = arith.constant 0 : i32
    %c0_i32_0 = arith.constant 0 : i32
    %c0_i32_1 = arith.constant 0 : i32
    return %c0_i32, %c0_i32_0 : i32, i32
  }
  func.func @transform_12(%arg0: i32) -> (i32, i32) {
    %c0_i32 = arith.constant 0 : i32
    %c0_i32_0 = arith.constant 0 : i32
    %c0_i32_1 = arith.constant 0 : i32
    return %c0_i32, %c0_i32_0 : i32, i32
  }
  func.func @transform_13(%arg0: i32) -> (i32, i32) {
    %c0_i32 = arith.constant 0 : i32
    %c0_i32_0 = arith.constant 0 : i32
    %c0_i32_1 = arith.constant 0 : i32
    return %c0_i32, %c0_i32_0 : i32, i32
  }
  func.func @transform_14(%arg0: i32) -> (i32, i32) {
    %c0_i32 = arith.constant 0 : i32
    %c0_i32_0 = arith.constant 0 : i32
    %c0_i32_1 = arith.constant 0 : i32
    return %c0_i32, %c0_i32_0 : i32, i32
  }
  func.func @transform_15(%arg0: i32) -> (i32, i32) {
    %c0_i32 = arith.constant 0 : i32
    %c0_i32_0 = arith.constant 0 : i32
    %c0_i32_1 = arith.constant 0 : i32
    return %c0_i32, %c0_i32_0 : i32, i32
  }
  func.func @transform_16(%arg0: i32) -> (i32, i32) {
    %c0_i32 = arith.constant 0 : i32
    %c0_i32_0 = arith.constant 0 : i32
    %c0_i32_1 = arith.constant 0 : i32
    return %c0_i32, %c0_i32_0 : i32, i32
  }
  func.func @transform_17(%arg0: i32) -> (i32, i32, i32) {
    %c0_i32 = arith.constant 0 : i32
    %c0_i32_0 = arith.constant 0 : i32
    %c0_i32_1 = arith.constant 0 : i32
    return %arg0, %c0_i32, %c0_i32_0 : i32, i32, i32
  }
}

</mosaic_0001>

<sc_bundles>
// kernel: kernel.6.cloned.1.call-start
scs
__scs_entry_jumppad:
0x0: {  	(pc) =	sbr.rel $0x88, $3  }
0x1: {  	(tag) =	ssettag $0x0;
	lr =	simm.s32 $0x1  }
0x2: {  	[smem:$0x3F8E] =	sst lr;
	_ =	strace $0xD0000000  }
0x3: {  	_ = 	snop  }
0x4: {  	_ = 	snop  }
0x5: {  	_ = 	snop  }
0x6: {  	_ = 	snop  }
0x7: {  	_ = 	snop  }
__scs_overlays_trampoline_lowered:
0x8: {  	[smem:$0x3F9D] =	sst s0  }
0x9: {  	[smem:$0x3F9E] =	sst s1  }
0xa: {  	[smem:$0x3F9F] =	sst s2  }
0xb: {  	[smem:$0x3FA0] =	sst s3  }
0xc: {  	[smem:$0x3FA1] =	sst s4  }
0xd: {  	[smem:$0x3FA2] =	sst s5  }
0xe: {  	[smem:$0x3FA3] =	sst s6  }
0xf: {  	[smem:$0x3FA4] =	sst s7  }
0x10: {  	[smem:$0x3FA5] =	sst s8  }
0x11: {  	[smem:$0x3FA6] =	sst s9;
	s0 =	simm.s32 @!p0 $0x0  }
0x12: {  	s1 =	sld [smem:$0x3F8C];
	s0 =	simm.s32 @p0 $0x1  }
0x13: {  	[smem:$0x3FA7] =	sst s0;
	s0 =	simm.s32 @!p1 $0x0  }
0x14: {  	s2 =	sld [smem:$0x3F8B];
	s0 =	simm.s32 @p1 $0x1  }
0x15: {  	[smem:$0x3FA8] =	sst s0;
	s0 =	simm.s32 @!p2 $0x0  }
0x16: {  	s3 =	sld [smem:$0x3FDB];
	s0 =	simm.s32 @p2 $0x1  }
0x17: {  	s4 =	simm.s32 $0x1BF5;
	[smem:$0x3FAA] =	sst s0  }
0x18: {  	s0 =	sld [smem:$0x3F8D];
	_ =	swait.ge [sflag:s4], $0x0  }
0x19: {  	s7 =	sld [smem:$0x3F8E]  }
0x1a: {  	s8 =	sadd.s32 $0xFFFFE003, lr  }
0x1b: {  	s9 =	sadd.s32 $0xFFFFFEF7, lr;
	s5 =	simm.s32 $0xFFFFFFFF;
	p2 =	slt.u32 s8, $0xFFFFF086  }
0x1c: {  	p1 =	slt.u32 s9, $0xF7A;
	s5 =	simm.s32 @!p2 $0x0  }
0x1d: {  	s5 =	simm.s32 @p1 $0x1;
	p0 =	seq.s32 s7, s2  }
0x1e: {  	s7 =	smul.u32 @!p0 $0xF7A, s2;
	p2 =	seq.s32 @!p0 s5, $0x0  }
0x1f: {  	s9 =	smul.u32 $0xF7A, s1;
	s8 =	simm.s32 @!p0 $0x1BF5;
	p2 =	por !p2, p0  }
0x20: {  	[sflag:s8] =	ssyncset.s32 @!p0 $0xFFFFF086;
	s6 =	sadd.s32 @!p0 s3, s7;
	s7 =	simm.s32 @!p0 $0x108  }
0x21: {  	s3 =	sadd.s32 s3, s9;
	s6 =	sadd.s32 @!p0 $0x88, s6;
	s7 =	simm.s32 @p2 $0x1082  }
0x22: {  	[simem:s7], [sflag:s8] =	dma.local @!p0 [hbm:s6], $0xF7A  }
0x23: {  	s9 =	sor.u32 $0xD0000000, s2;
	s6 =	simm.s32 $0x108;
	_ =	swait.ge @!p0 [sflag:s8], $0x0  }
0x24: {  	s3 =	sadd.s32 $0x88, s3;
	s6 =	simm.s32 @!p1 $0x1082;
	[sflag:s4] =	ssyncset.s32 $0xFFFFF086  }
0x25: {  	[simem:s6], [sflag:s4] =	dma.local [hbm:s3], $0xF7A  }
0x26: {  	[smem:$0x3F8E] =	sst s1;
	(tag) =	ssettag s2;
	_ =	strace s9  }
0x27: {  	s1 =	sld [smem:$0x3F9E]  }
0x28: {  	s2 =	sld [smem:$0x3F9F]  }
0x29: {  	s4 =	sld [smem:$0x3FA1]  }
0x2a: {  	p0 =	seq.s32 s5, $0x0;
	s5 =	sld [smem:$0x3FA2]  }
0x2b: {  	s6 =	sld [smem:$0x3FA3]  }
0x2c: {  	s7 =	sld [smem:$0x3FA4]  }
0x2d: {  	s3 =	simm.s32 $0x108;
	s8 =	sld [smem:$0x3FA5]  }
0x2e: {  	s3 =	simm.s32 @!p0 $0x1082;
	s9 =	sld [smem:$0x3FA6]  }
0x2f: {  	lr =	sadd.s32 s0, s3;
	s0 =	sld [smem:$0x3F9D]  }
0x30: {  	s3 =	sld [smem:$0x3FA0]  }
0x31: {  	[smem:$0x3FA9] =	sst s10  }
0x32: {  	s10 =	sld [smem:$0x3FA7];
	_ =	sdelay $0x3  }
0x33: {  	p0 =	seq.s32 s10, $0x1;
	s10 =	sld [smem:$0x3FA9];
	_ =	sdelay $0x3  }
0x34: {  	[smem:$0x3FA9] =	sst s10  }
0x35: {  	s10 =	sld [smem:$0x3FA8];
	_ =	sdelay $0x3  }
0x36: {  	p1 =	seq.s32 s10, $0x1;
	s10 =	sld [smem:$0x3FA9];
	_ =	sdelay $0x3  }
0x37: {  	[smem:$0x3FA9] =	sst s10  }
0x38: {  	s10 =	sld [smem:$0x3FAA]  }
0x39: {  	_ = 	snop;
	(pc) =	sbr.ind lr, $3  }
0x3a: {  	_ = 	snop  }
0x3b: {  	_ = 	snop  }
0x3c: {  	p2 =	seq.s32 s10, $0x1;
	s10 =	sld [smem:$0x3FA9]  }
0x3d: {  	_ =	shalt  }
0x3e: {  	_ =	shalt  }
0x3f: {  	_ =	shalt  }
0x40: {  	_ =	shalt  }
0x41: {  	_ =	shalt  }
0x42: {  	_ =	shalt  }
0x43: {  	_ =	shalt  }
0x44: {  	_ =	shalt  }
0x45: {  	_ =	shalt  }
0x46: {  	_ =	shalt  }
0x47: {  	_ =	shalt  }
0x48: {  	_ =	shalt  }
0x49: {  	_ =	shalt  }
0x4a: {  	_ =	shalt  }
0x4b: {  	_ =	shalt  }
0x4c: {  	_ =	shalt  }
0x4d: {  	_ =	shalt  }
0x4e: {  	_ =	shalt  }
0x4f: {  	_ =	shalt  }
0x50: {  	_ =	shalt  }
0x51: {  	_ =	shalt  }
0x52: {  	_ =	shalt  }
0x53: {  	_ =	shalt  }
0x54: {  	_ =	shalt  }
0x55: {  	_ =	shalt  }
0x56: {  	_ =	shalt  }
0x57: {  	_ =	shalt  }
0x58: {  	_ =	shalt  }
0x59: {  	_ =	shalt  }
0x5a: {  	_ =	shalt  }
0x5b: {  	_ =	shalt  }
0x5c: {  	_ =	shalt  }
0x5d: {  	_ =	shalt  }
0x5e: {  	_ =	shalt  }
0x5f: {  	_ =	shalt  }
0x60: {  	_ =	shalt  }
0x61: {  	_ =	shalt  }
0x62: {  	_ =	shalt  }
0x63: {  	_ =	shalt  }
0x64: {  	_ =	shalt  }
0x65: {  	_ =	shalt  }
0x66: {  	_ =	shalt  }
0x67: {  	_ =	shalt  }
0x68: {  	_ =	shalt  }
0x69: {  	_ =	shalt  }
0x6a: {  	_ =	shalt  }
0x6b: {  	_ =	shalt  }
0x6c: {  	_ =	shalt  }
0x6d: {  	_ =	shalt  }
0x6e: {  	_ =	shalt  }
0x6f: {  	_ =	shalt  }
0x70: {  	_ =	shalt  }
0x71: {  	_ =	shalt  }
0x72: {  	_ =	shalt  }
0x73: {  	_ =	shalt  }
0x74: {  	_ =	shalt  }
0x75: {  	_ =	shalt  }
0x76: {  	_ =	shalt  }
0x77: {  	_ =	shalt  }
0x78: {  	_ =	shalt  }
0x79: {  	_ =	shalt  }
0x7a: {  	_ =	shalt  }
0x7b: {  	_ =	shalt  }
0x7c: {  	_ =	shalt  }
0x7d: {  	_ =	shalt  }
0x7e: {  	_ =	shalt  }
0x7f: {  	_ =	shalt  }
0x80: {  	_ =	shalt  }
0x81: {  	_ =	shalt  }
0x82: {  	_ =	shalt  }
0x83: {  	_ =	shalt  }
0x84: {  	_ =	shalt  }
0x85: {  	_ =	shalt  }
0x86: {  	_ =	shalt  }
0x87: {  	_ =	shalt  }
.Lfunc_end0:
.L_simem_size_0:
called_computation_lowered:
.L_overlay_start_0:
0x88: {  	s2 =	sld [smem:$0x3FD9]  }
0x89: {  	s3 =	sld [smem:$0x3FFE];
	_ =	sdelay $0x1  }
0x8a: {  	s1 =	srdreg.scid  }
0x8b: {  	s0 =	sand.u32 $0x1, s1  }
0x8c: {  	s17 =	sshll.u32 s0, $0xA;
	s2 =	sadd.s32 s3, s2  }
0x8d: {  	s2 =	sadd.s32 s2, s17  }
0x8e: {  	[smem:$0x3FB5] =	sst s2  }
0x8f: {  	_ = 	snop  }
0x90: {  	s2 =	sld [smem:$0x3FD0];
	(tm) =	ssettm $0x1  }
0x91: {  	s18 =	sld [smem:$0x3FFB];
	_ =	sdelay $0x3  }
0x92: {  	_ =	strace s18  }
0x93: {  	s3 =	sld [smem:$0x3FFC];
	_ =	sdelay $0x3  }
0x94: {  	_ =	strace s3  }
0x95: {  	s3 =	sld [smem:$0x3FFD];
	_ =	sdelay $0x3  }
0x96: {  	_ =	strace s3  }
0x97: {  	_ =	strace $0x8FFFFFFF  }
0x98: {  	s19 =	sld [smem:$0x3FDB];
	_ =	sdelay $0x1  }
0x99: {  	s4 =	simm.s32 $_scs_section_size  }
0x9a: {  	s5 =	simm.s32 $_size__tile_overlayer_lowered;
	s6 =	simm.s32 $_tile_overlayer_lowered  }
0x9b: {  	s22 =	simm.s32 $0x1BFF;
	s21 =	sshll.u32 s6, $0x1;
	s3 =	sadd.s32 s4, s19  }
0x9c: {  	s7 =	simm.s32 $0x0;
	s20 =	sshll.u32 s5, $0x1;
	s5 =	sadd.s32 s21, s3  }
0x9d: {  	[timem:s7], [sflag:s22] =	dma.local [hbm:s5], s20  }
0x9e: {  	_ =	swait.ge [sflag:s22], s20  }
0x9f: {  	s4 =	ssub.s32 $0x0, s20;
	[sflag:s22] =	ssyncset.done $0x0  }
0xa0: {  	[sflag:s22] =	ssyncadd.s32 s4;
	_ =	sdelay $0x1  }
0xa1: {  	s23 =	simm.s32 $0x1B8B  }
0xa2: {  	_ =	swait.ge [sflag:s23], $0x1  }
0xa3: {  	[sflag:s23] =	ssyncset.done $0x0  }
0xa4: {  	s25 =	simm.s32 $0x1B8E;
	s24 =	sld [smem:$0x3FFE];
	[sflag:s23] =	ssyncadd.s32 $0xFFFFFFFF  }
0xa5: {  	s26 =	simm.s32 $execute0_lowered;
	[smem:$0x3FD2] =	sst s25  }
0xa6: {  	s5 =	sshll.u32 s26, $0x1;
	_ =	strace $0x80000046;
	[dreg:$0x1] =	wrdreg $0xFFFFFFFF  }
0xa7: {  	s28 =	simm.s32 $_size_execute0_lowered;
	s3 =	sadd.s32 s3, s5;
	[dreg:$0x0] =	wrdreg $0x0  }
0xa8: {  	s5 =	sshll.u32 s28, $0x1;
	[dreg:$0x2] =	wrdreg s3  }
0xa9: {  	[dreg:$0x3] =	wrdreg s5  }
0xaa: {  	[dreg:$0x4] =	wrdreg $0xC0  }
0xab: {  	_ =	task [dreg:s7], $0x5FFFF  }
0xac: {  	[dreg:$0x1] =	wrdreg $0xFFFFFFFF  }
0xad: {  	[dreg:$0x0] =	wrdreg $0x60  }
0xae: {  	[dreg:$0x2] =	wrdreg s24  }
0xaf: {  	[dreg:$0x3] =	wrdreg s2  }
0xb0: {  	[dreg:$0x4] =	wrdreg $0x0  }
0xb1: {  	[dreg:$0x5] =	wrdreg $0x9  }
0xb2: {  	_ =	task.clear_ibuf [dreg:s7], $0x6FFFF;
	_ =	strace $0x90000046  }
0xb3: {  	s29 =	simm.s32 $0x9;
	_ =	strace $0x80000048  }
0xb4: {  	_ =	swait.ge [sflag:s29], $0x1  }
0xb5: {  	[sflag:s29] =	ssyncadd.s32 $0xFFFFFFFF  }
0xb6: {  	_ =	strace $0x90000048  }
0xb7: {  	_ =	sfence  }
0xb8: {  	s30 =	sld [smem:$0x0];
	_ =	sdelay $0x2  }
0xb9: {  	s31 =	sshll.u32 s1, $0xD;
	s1 =	sshrl.u32 s1, $0x2  }
0xba: {  	s3 =	sand.u32 $0x4000, s31;
	s1 =	sadd.s32 s1, s30  }
0xbb: {  	s0 =	sor.u32 s3, s0;
	s1 =	sshll.u32 s1, $0x11  }
0xbc: {  	s0 =	sor.u32 s1, s0  }
0xbd: {  	s0 =	sadd.s32 $0x8F2B, s0  }
0xbe: {  	[sflag:s0] =	ssyncadd.remote.s32 $0x1  }
0xbf: {  	_ =	sfence.sel $0xFFFF  }
0xc0: {  	[dreg:$0x0] =	wrdreg $0xFFFFFFFF;
	(pc) =	sbr.abs _section_cstart, $3  }
0xc1: {  	[dreg:$0x1] =	wrdreg $0xFFFFFFFF  }
0xc2: {  	_ =	task.clear_ibuf [dreg:s7], $0x2FFFF;
	_ =	strace $0x9FFFFFFF  }
0xc3: {  	(tm) =	ssettm $0x7FFFFFFF  }
tec
execute0_lowered:
.L_overlay_start_1:
0x0: {  	(tag) =	ssettag $0x1  }
0x1: {  	s6 =	rddreg [dreg:$0x0]  }
0x2: {  	s1 =	srdreg.scid;
	s2 =	rddreg [dreg:$0x1]  }
0x3: {  	s0 =	stileid.u32;
	s3 =	rddreg [dreg:$0x2]  }
0x4: {  	s4 =	simm.s32 $0x0;
	s14 =	simm.s32 $0x80;
	s15 =	simm.s32 $0x0  }
0x5: {  	s7 =	sand.u32 $0x1, s1;
	s8 =	sshll.u32 s0, $0xE;
	s1 =	rddreg [dreg:$0x3]  }
0x6: {  	[smem:$0x7FF] =	sst s4;
	s11 =	sshll.u32 s0, $0x6;
	s5 =	sshll.u32 s7, $0xD  }
0x7: {  	s9 =	sshll.u32 s7, $0x12;
	_ =	strace $0x80000047;
	s7 =	ssub.s32 $0x2, s7  }
0x8: {  	s13 =	sadd.s32 s8, s3;
	s5 =	sor.u32 s5, s8;
	s9 =	sor.u32 s8, s9  }
0x9: {  	s31 =	sshrl.u32 s7, $0x1;
	s5 =	sshrl.u32 s5, $0x3;
	s9 =	sshrl.u32 s9, $0x3  }
0xa: {  	s12 =	ssub.s32 s7, s31;
	s10 =	sadd.s32 s5, s6;
	s5 =	sadd.s32 $0x13600, s6  }
0xb: {  	s9 =	sadd.s32 s9, s6;
	s6 =	sor.u32 $0x1C01, s11;
	s11 =	simm.s32 $0x1  }
0xc: {  	s7 =	sadd.s32 $0x3600, s10;
	s8 =	sadd.s32 $0x13E00, s9;
	s9 =	smax.u32 s12, $0x1  }
0xd: {  	s10 =	sshrl.u32 s13, $0x3;
	s12 =	simm.s32 $0x6000;
	s13 =	simm.s32 $0x4000  }
.LBB2_1:
0xe: {  	[spmem:s10], [sflag:s6] =	dma.local [hbm:s5], $0x800  }
0xf: {  	_ =	swait.ge [sflag:s11], $0x800  }
0x10: {  	[sflag:s11] =	ssyncset.done $0x0  }
0x11: {  	[sflag:s11] =	ssyncadd.s32 $0xFFFFF800  }
0x12: {  	[tilespmem:s12], [sflag:$0x1] =	stream.linear.gather [hbm4b:s2+s4], $0x800, $0x38;
	[tilespmem:$0x6800] =	vst v63  }
0x13: {  	_ =	swait.ge [sflag:s11], $0x800  }
0x14: {  	[sflag:s11] =	ssyncset.done $0x0  }
0x15: {  	[sflag:s11] =	ssyncadd.s32 $0xFFFFF800  }
0x16: {  	[tilespmem:s13], [sflag:$0x1] =	stream.linear.gather [hbm4b:s7+s4], $0x2000, $0x38;
	[tilespmem:$0x6800] =	vst v63  }
0x17: {  	_ =	swait.ge [sflag:s11], $0x2000  }
0x18: {  	[sflag:s11] =	ssyncset.done $0x0  }
0x19: {  	[sflag:s11] =	ssyncadd.s32 $0xFFFFE000  }
0x1a: {  	s16 =	simm.s32 $0x4000;
	[bflag:$0x0] =	sbarrier.arrive $0xFFFF  }
0x1b: {  	[spmem:s3] =	stream.indirect.scatter.add.f32 [tilespmem:s12], [sflag:$0x1], $0x10, s16, s14, $0xb8;
	[tilespmem:$0x6800] =	vst v63  }
0x1c: {  	s16 =	simm.s32 $0x200;
	_ =	swait.ge [sflag:s11], $0x800  }
.LBB2_2:
0x1d: {  	s17 =	sshra.s32 s16, $0x2;
	[sflag:s11] =	ssyncset.done $0x0;
	p0 =	sne.s32 s16, $0x7E00  }
.Ltmp0:
0x1e: {  	s17 =	sadd.s32 $0x4000, s17;
	[sflag:s11] =	ssyncadd.s32 $0xFFFFF800;
	(pc) =	sbr.rel @p0 .LBB2_2-.Ltmp0, $3  }
0x1f: {  	[spmem:s3] =	stream.indirect.scatter.add.f32 [tilespmem:s12], [sflag:$0x1], $0x10, s17, s14, $0xb8;
	[tilespmem:$0x6800] =	vst v63  }
0x20: {  	s16 =	sadd.s32 $0x200, s16;
	_ =	sdelay $0x1  }
0x21: {  	_ =	swait.ge [sflag:s11], $0x800  }
0x22: {  	[sflag:s11] =	ssyncset.done $0x0;
	s15 =	sadd.s32 $0x1, s15  }
0x23: {  	[sflag:s11] =	ssyncadd.s32 $0xFFFFF800;
	p0 =	sne.s32 s15, s9  }
.Ltmp1:
0x24: {  	[bflag:$0x0] =	sbarrier.arrive $0xFFFF;
	(pc) =	sbr.rel @p0 .LBB2_1-.Ltmp1, $4  }
0x25: {  	[hbm:s8], [sflag:s6] =	dma.local [spmem:s10], $0x800  }
0x26: {  	_ =	swait.ge [sflag:s11], $0x800  }
0x27: {  	[sflag:s11] =	ssyncset.done $0x0  }
0x28: {  	[sflag:s11] =	ssyncadd.s32 $0xFFFFF800  }
0x29: {  	_ =	sfence.sel $0x180000  }
0x2a: {  	[bflag:$0x0] =	sbarrier.arrive $0xFFFF  }
0x2b: {  	p0 =	sne.s32 s0, $0x0;
	_ =	strace $0x90000047  }
0x2c: {  	s0 =	sadd.s32 @!p0 $0x100000, s1;
	[bflag:$0x2] =	sbarrier.arrive $0xFFFF  }
0x2d: {  	[sflag:s0] =	ssyncadd.tile.s32 @!p0 $0x1;
	_ =	shalt  }
.Lfunc_end2:
_tile_overlayer_lowered:
.L_overlay_start_2:
0x2e: {  	(tag) =	ssettag $0x2  }
0x2f: {  	s0 =	rddreg [dreg:$0x0];
	s2 =	stileid.u32  }
0x30: {  	s1 =	rddreg [dreg:$0x1];
	p0 =	sne.s32 s2, $0x0  }
0x31: {  	s3 =	rddreg [dreg:$0x2];
	[bflag:$0x3] =	sbarrier.arrive $0xFFFF;
	s2 =	simm.s32 @!p0 $0x1C01  }
0x32: {  	[timem:s3], [sflag:s2] =	dma.local @!p0 [hbm:s0], s1  }
0x33: {  	s0 =	simm.s32 @!p0 $0x1  }
0x34: {  	_ =	swait.ge @!p0 [sflag:s0], s1  }
0x35: {  	s1 =	ssub.s32 @!p0 $0x0, s1;
	[sflag:s0] =	ssyncset.done @!p0 $0x0  }
0x36: {  	[sflag:s0] =	ssyncadd.s32 @!p0 s1  }
0x37: {  	[bflag:$0x3] =	sbarrier.arrive $0xFFFF  }
0x38: {  	_ =	shalt  }

// kernel: kernel.9.cloned.1.call-start
scs
__scs_entry_jumppad:
0x0: {  	(pc) =	sbr.rel $0x88, $3  }
0x1: {  	(tag) =	ssettag $0x0;
	lr =	simm.s32 $0x1  }
0x2: {  	[smem:$0x3F8E] =	sst lr;
	_ =	strace $0xD0000000  }
0x3: {  	_ = 	snop  }
0x4: {  	_ = 	snop  }
0x5: {  	_ = 	snop  }
0x6: {  	_ = 	snop  }
0x7: {  	_ = 	snop  }
__scs_overlays_trampoline_lowered:
0x8: {  	[smem:$0x3F9D] =	sst s0  }
0x9: {  	[smem:$0x3F9E] =	sst s1  }
0xa: {  	[smem:$0x3F9F] =	sst s2  }
0xb: {  	[smem:$0x3FA0] =	sst s3  }
0xc: {  	[smem:$0x3FA1] =	sst s4  }
0xd: {  	[smem:$0x3FA2] =	sst s5  }
0xe: {  	[smem:$0x3FA3] =	sst s6  }
0xf: {  	[smem:$0x3FA4] =	sst s7  }
0x10: {  	[smem:$0x3FA5] =	sst s8  }
0x11: {  	[smem:$0x3FA6] =	sst s9;
	s0 =	simm.s32 @!p0 $0x0  }
0x12: {  	s1 =	sld [smem:$0x3F8C];
	s0 =	simm.s32 @p0 $0x1  }
0x13: {  	[smem:$0x3FA7] =	sst s0;
	s0 =	simm.s32 @!p1 $0x0  }
0x14: {  	s2 =	sld [smem:$0x3F8B];
	s0 =	simm.s32 @p1 $0x1  }
0x15: {  	[smem:$0x3FA8] =	sst s0;
	s0 =	simm.s32 @!p2 $0x0  }
0x16: {  	s3 =	sld [smem:$0x3FDB];
	s0 =	simm.s32 @p2 $0x1  }
0x17: {  	s4 =	simm.s32 $0x1BF5;
	[smem:$0x3FAA] =	sst s0  }
0x18: {  	s0 =	sld [smem:$0x3F8D];
	_ =	swait.ge [sflag:s4], $0x0  }
0x19: {  	s7 =	sld [smem:$0x3F8E]  }
0x1a: {  	s8 =	sadd.s32 $0xFFFFE003, lr  }
0x1b: {  	s9 =	sadd.s32 $0xFFFFFEF7, lr;
	s5 =	simm.s32 $0xFFFFFFFF;
	p2 =	slt.u32 s8, $0xFFFFF086  }
0x1c: {  	p1 =	slt.u32 s9, $0xF7A;
	s5 =	simm.s32 @!p2 $0x0  }
0x1d: {  	s5 =	simm.s32 @p1 $0x1;
	p0 =	seq.s32 s7, s2  }
0x1e: {  	s7 =	smul.u32 @!p0 $0xF7A, s2;
	p2 =	seq.s32 @!p0 s5, $0x0  }
0x1f: {  	s9 =	smul.u32 $0xF7A, s1;
	s8 =	simm.s32 @!p0 $0x1BF5;
	p2 =	por !p2, p0  }
0x20: {  	[sflag:s8] =	ssyncset.s32 @!p0 $0xFFFFF086;
	s6 =	sadd.s32 @!p0 s3, s7;
	s7 =	simm.s32 @!p0 $0x108  }
0x21: {  	s3 =	sadd.s32 s3, s9;
	s6 =	sadd.s32 @!p0 $0x88, s6;
	s7 =	simm.s32 @p2 $0x1082  }
0x22: {  	[simem:s7], [sflag:s8] =	dma.local @!p0 [hbm:s6], $0xF7A  }
0x23: {  	s9 =	sor.u32 $0xD0000000, s2;
	s6 =	simm.s32 $0x108;
	_ =	swait.ge @!p0 [sflag:s8], $0x0  }
0x24: {  	s3 =	sadd.s32 $0x88, s3;
	s6 =	simm.s32 @!p1 $0x1082;
	[sflag:s4] =	ssyncset.s32 $0xFFFFF086  }
0x25: {  	[simem:s6], [sflag:s4] =	dma.local [hbm:s3], $0xF7A  }
0x26: {  	[smem:$0x3F8E] =	sst s1;
	(tag) =	ssettag s2;
	_ =	strace s9  }
0x27: {  	s1 =	sld [smem:$0x3F9E]  }
0x28: {  	s2 =	sld [smem:$0x3F9F]  }
0x29: {  	s4 =	sld [smem:$0x3FA1]  }
0x2a: {  	p0 =	seq.s32 s5, $0x0;
	s5 =	sld [smem:$0x3FA2]  }
0x2b: {  	s6 =	sld [smem:$0x3FA3]  }
0x2c: {  	s7 =	sld [smem:$0x3FA4]  }
0x2d: {  	s3 =	simm.s32 $0x108;
	s8 =	sld [smem:$0x3FA5]  }
0x2e: {  	s3 =	simm.s32 @!p0 $0x1082;
	s9 =	sld [smem:$0x3FA6]  }
0x2f: {  	lr =	sadd.s32 s0, s3;
	s0 =	sld [smem:$0x3F9D]  }
0x30: {  	s3 =	sld [smem:$0x3FA0]  }
0x31: {  	[smem:$0x3FA9] =	sst s10  }
0x32: {  	s10 =	sld [smem:$0x3FA7];
	_ =	sdelay $0x3  }
0x33: {  	p0 =	seq.s32 s10, $0x1;
	s10 =	sld [smem:$0x3FA9];
	_ =	sdelay $0x3  }
0x34: {  	[smem:$0x3FA9] =	sst s10  }
0x35: {  	s10 =	sld [smem:$0x3FA8];
	_ =	sdelay $0x3  }
0x36: {  	p1 =	seq.s32 s10, $0x1;
	s10 =	sld [smem:$0x3FA9];
	_ =	sdelay $0x3  }
0x37: {  	[smem:$0x3FA9] =	sst s10  }
0x38: {  	s10 =	sld [smem:$0x3FAA]  }
0x39: {  	_ = 	snop;
	(pc) =	sbr.ind lr, $3  }
0x3a: {  	_ = 	snop  }
0x3b: {  	_ = 	snop  }
0x3c: {  	p2 =	seq.s32 s10, $0x1;
	s10 =	sld [smem:$0x3FA9]  }
0x3d: {  	_ =	shalt  }
0x3e: {  	_ =	shalt  }
0x3f: {  	_ =	shalt  }
0x40: {  	_ =	shalt  }
0x41: {  	_ =	shalt  }
0x42: {  	_ =	shalt  }
0x43: {  	_ =	shalt  }
0x44: {  	_ =	shalt  }
0x45: {  	_ =	shalt  }
0x46: {  	_ =	shalt  }
0x47: {  	_ =	shalt  }
0x48: {  	_ =	shalt  }
0x49: {  	_ =	shalt  }
0x4a: {  	_ =	shalt  }
0x4b: {  	_ =	shalt  }
0x4c: {  	_ =	shalt  }
0x4d: {  	_ =	shalt  }
0x4e: {  	_ =	shalt  }
0x4f: {  	_ =	shalt  }
0x50: {  	_ =	shalt  }
0x51: {  	_ =	shalt  }
0x52: {  	_ =	shalt  }
0x53: {  	_ =	shalt  }
0x54: {  	_ =	shalt  }
0x55: {  	_ =	shalt  }
0x56: {  	_ =	shalt  }
0x57: {  	_ =	shalt  }
0x58: {  	_ =	shalt  }
0x59: {  	_ =	shalt  }
0x5a: {  	_ =	shalt  }
0x5b: {  	_ =	shalt  }
0x5c: {  	_ =	shalt  }
0x5d: {  	_ =	shalt  }
0x5e: {  	_ =	shalt  }
0x5f: {  	_ =	shalt  }
0x60: {  	_ =	shalt  }
0x61: {  	_ =	shalt  }
0x62: {  	_ =	shalt  }
0x63: {  	_ =	shalt  }
0x64: {  	_ =	shalt  }
0x65: {  	_ =	shalt  }
0x66: {  	_ =	shalt  }
0x67: {  	_ =	shalt  }
0x68: {  	_ =	shalt  }
0x69: {  	_ =	shalt  }
0x6a: {  	_ =	shalt  }
0x6b: {  	_ =	shalt  }
0x6c: {  	_ =	shalt  }
0x6d: {  	_ =	shalt  }
0x6e: {  	_ =	shalt  }
0x6f: {  	_ =	shalt  }
0x70: {  	_ =	shalt  }
0x71: {  	_ =	shalt  }
0x72: {  	_ =	shalt  }
0x73: {  	_ =	shalt  }
0x74: {  	_ =	shalt  }
0x75: {  	_ =	shalt  }
0x76: {  	_ =	shalt  }
0x77: {  	_ =	shalt  }
0x78: {  	_ =	shalt  }
0x79: {  	_ =	shalt  }
0x7a: {  	_ =	shalt  }
0x7b: {  	_ =	shalt  }
0x7c: {  	_ =	shalt  }
0x7d: {  	_ =	shalt  }
0x7e: {  	_ =	shalt  }
0x7f: {  	_ =	shalt  }
0x80: {  	_ =	shalt  }
0x81: {  	_ =	shalt  }
0x82: {  	_ =	shalt  }
0x83: {  	_ =	shalt  }
0x84: {  	_ =	shalt  }
0x85: {  	_ =	shalt  }
0x86: {  	_ =	shalt  }
0x87: {  	_ =	shalt  }
.Lfunc_end0:
.L_simem_size_0:
called_computation.1_lowered:
.L_overlay_start_0:
0x88: {  	s2 =	sld [smem:$0x3FD9]  }
0x89: {  	s3 =	sld [smem:$0x3FFE];
	_ =	sdelay $0x1  }
0x8a: {  	s1 =	srdreg.scid  }
0x8b: {  	s0 =	sand.u32 $0x1, s1  }
0x8c: {  	s16 =	sshll.u32 s0, $0xA;
	s2 =	sadd.s32 s3, s2  }
0x8d: {  	s2 =	sadd.s32 s2, s16  }
0x8e: {  	[smem:$0x3FB5] =	sst s2  }
0x8f: {  	_ = 	snop  }
0x90: {  	(tm) =	ssettm $0x1  }
0x91: {  	s17 =	sld [smem:$0x3FFB];
	_ =	sdelay $0x3  }
0x92: {  	_ =	strace s17  }
0x93: {  	s2 =	sld [smem:$0x3FFC];
	_ =	sdelay $0x3  }
0x94: {  	_ =	strace s2  }
0x95: {  	s2 =	sld [smem:$0x3FFD];
	_ =	sdelay $0x3  }
0x96: {  	_ =	strace s2  }
0x97: {  	_ =	strace $0x8FFFFFFF  }
0x98: {  	s18 =	sld [smem:$0x3FDB];
	_ =	sdelay $0x1  }
0x99: {  	s19 =	simm.s32 $_scs_section_size  }
0x9a: {  	s4 =	simm.s32 $_size__tile_overlayer_lowered;
	s5 =	simm.s32 $_tile_overlayer_lowered  }
0x9b: {  	s22 =	simm.s32 $0x1BFF;
	s21 =	sshll.u32 s5, $0x1;
	s2 =	sadd.s32 s19, s18  }
0x9c: {  	s6 =	simm.s32 $0x0;
	s20 =	sshll.u32 s4, $0x1;
	s4 =	sadd.s32 s21, s2  }
0x9d: {  	[timem:s6], [sflag:s22] =	dma.local [hbm:s4], s20  }
0x9e: {  	_ =	swait.ge [sflag:s22], s20  }
0x9f: {  	s3 =	ssub.s32 $0x0, s20;
	[sflag:s22] =	ssyncset.done $0x0  }
0xa0: {  	[sflag:s22] =	ssyncadd.s32 s3;
	_ =	sdelay $0x1  }
0xa1: {  	s23 =	simm.s32 $0x1B8B  }
0xa2: {  	_ =	swait.ge [sflag:s23], $0x1  }
0xa3: {  	[sflag:s23] =	ssyncset.done $0x0  }
0xa4: {  	s25 =	simm.s32 $0x1B8E;
	s24 =	sld [smem:$0x3FFE];
	[sflag:s23] =	ssyncadd.s32 $0xFFFFFFFF  }
0xa5: {  	s26 =	simm.s32 $execute0_lowered;
	[smem:$0x3FD2] =	sst s25  }
0xa6: {  	s4 =	sshll.u32 s26, $0x1;
	_ =	strace $0x80000049;
	[dreg:$0x1] =	wrdreg $0xFFFFFFFF  }
0xa7: {  	s28 =	simm.s32 $_size_execute0_lowered;
	s2 =	sadd.s32 s2, s4;
	[dreg:$0x0] =	wrdreg $0x0  }
0xa8: {  	s4 =	sshll.u32 s28, $0x1;
	[dreg:$0x2] =	wrdreg s2  }
0xa9: {  	[dreg:$0x3] =	wrdreg s4  }
0xaa: {  	[dreg:$0x4] =	wrdreg $0xC0  }
0xab: {  	_ =	task [dreg:s6], $0x5FFFF  }
0xac: {  	[dreg:$0x1] =	wrdreg $0xFFFFFFFF  }
0xad: {  	[dreg:$0x0] =	wrdreg $0x60  }
0xae: {  	[dreg:$0x2] =	wrdreg s24  }
0xaf: {  	[dreg:$0x3] =	wrdreg $0x0  }
0xb0: {  	[dreg:$0x4] =	wrdreg $0x9  }
0xb1: {  	_ =	task.clear_ibuf [dreg:s6], $0x5FFFF;
	_ =	strace $0x90000049  }
0xb2: {  	s29 =	simm.s32 $0x9;
	_ =	strace $0x8000004B  }
0xb3: {  	_ =	swait.ge [sflag:s29], $0x1  }
0xb4: {  	[sflag:s29] =	ssyncadd.s32 $0xFFFFFFFF  }
0xb5: {  	_ =	strace $0x9000004B  }
0xb6: {  	_ =	sfence  }
0xb7: {  	s30 =	sld [smem:$0x0];
	_ =	sdelay $0x2  }
0xb8: {  	s31 =	sshll.u32 s1, $0xD;
	s1 =	sshrl.u32 s1, $0x2  }
0xb9: {  	s3 =	sand.u32 $0x4000, s31;
	s1 =	sadd.s32 s1, s30  }
0xba: {  	s0 =	sor.u32 s3, s0;
	s1 =	sshll.u32 s1, $0x11  }
0xbb: {  	s0 =	sor.u32 s1, s0  }
0xbc: {  	s0 =	sadd.s32 $0x8F2B, s0  }
0xbd: {  	[sflag:s0] =	ssyncadd.remote.s32 $0x1  }
0xbe: {  	_ =	sfence.sel $0xFFFF  }
0xbf: {  	[dreg:$0x0] =	wrdreg $0xFFFFFFFF;
	(pc) =	sbr.abs _section_cstart, $3  }
0xc0: {  	[dreg:$0x1] =	wrdreg $0xFFFFFFFF  }
0xc1: {  	_ =	task.clear_ibuf [dreg:s6], $0x2FFFF;
	_ =	strace $0x9FFFFFFF  }
0xc2: {  	(tm) =	ssettm $0x7FFFFFFF  }
0xc3: {  	_ =	shalt  }
tec
execute0_lowered:
.L_overlay_start_1:
0x0: {  	(tag) =	ssettag $0x1  }
0x1: {  	s4 =	rddreg [dreg:$0x0]  }
0x2: {  	s1 =	rddreg [dreg:$0x1]  }
0x3: {  	s0 =	rddreg [dreg:$0x2];
	s3 =	simm.s32 $0x0;
	s5 =	srdreg.scid  }
0x4: {  	s2 =	stileid.u32;
	s10 =	simm.s32 $0x3;
	s11 =	simm.s32 $0x14000  }
0x5: {  	s15 =	simm.s32 $0x80;
	s16 =	simm.s32 $0x18000;
	s17 =	simm.s32 $0x1A000  }
0x6: {  	s18 =	simm.s32 $0x1;
	s19 =	simm.s32 $0x2;
	s20 =	simm.s32 $0x13F80  }
0x7: {  	s21 =	simm.s32 $0x17F00;
	s22 =	simm.s32 $0x17F80;
	s23 =	simm.s32 $0x0  }
0x8: {  	[smem:$0x7FF] =	sst s3;
	s5 =	sand.u32 $0x1, s5;
	s6 =	sshll.u32 s2, $0xB  }
0x9: {  	s30 =	sshll.u32 s2, $0x10;
	s12 =	sshll.u32 s2, $0xD;
	s13 =	sshll.u32 s2, $0x6  }
0xa: {  	_ =	strace $0x8000004A;
	s7 =	ssub.s32 $0x2, s5;
	s6 =	sadd.s32 s6, s4  }
0xb: {  	s5 =	sshll.u32 s5, $0x11;
	s14 =	sadd.s32 s30, s1;
	s13 =	sor.u32 $0x1C03, s13  }
0xc: {  	s8 =	sshrl.u32 s7, $0x1;
	s9 =	sadd.s32 s5, s4;
	s4 =	sadd.s32 $0xB600, s6  }
0xd: {  	s5 =	sadd.s32 $0x3600, s6;
	s14 =	sshrl.u32 s14, $0x3;
	s8 =	ssub.s32 s7, s8  }
0xe: {  	s6 =	sadd.s32 $0x13600, s9;
	s31 =	sadd.s32 s12, s9;
	s9 =	simm.s32 $0x10000  }
0xf: {  	s7 =	sadd.s32 $0x53600, s31;
	s8 =	smax.u32 s8, $0x1;
	s12 =	sadd.s32 s12, s6  }
.LBB2_1:
0x10: {  	[tilespmem:s9], [sflag:$0x3] =	stream.linear.gather [hbm4b:s4+s3], $0x4000, $0x38;
	[tilespmem:$0x1C000] =	vst v63  }
0x11: {  	_ =	swait.ge [sflag:s10], $0x4000  }
0x12: {  	[sflag:s10] =	ssyncset.done $0x0  }
0x13: {  	[sflag:s10] =	ssyncadd.s32 $0xFFFFC000  }
0x14: {  	[tilespmem:s11], [sflag:$0x3] =	stream.linear.gather [hbm4b:s5+s3], $0x4000, $0x38;
	[tilespmem:$0x1C000] =	vst v63  }
0x15: {  	_ =	swait.ge [sflag:s10], $0x4000  }
0x16: {  	[sflag:s10] =	ssyncset.done $0x0  }
0x17: {  	[sflag:s10] =	ssyncadd.s32 $0xFFFFC000  }
0x18: {  	[spmem:s14], [sflag:s13] =	dma.local [hbm:s12], $0x2000  }
0x19: {  	_ =	swait.ge [sflag:s10], $0x2000  }
0x1a: {  	[sflag:s10] =	ssyncset.done $0x0  }
0x1b: {  	[sflag:s10] =	ssyncadd.s32 $0xFFFFE000  }
0x1c: {  	[bflag:$0x0] =	sbarrier.arrive $0xFFFF  }
0x1d: {  	[tilespmem:s16], [sflag:$0x1] =	stream.indirect.gather [hbm4b:s6+s15], $0x40, s9, s15, $0xb8;
	[tilespmem:$0x1C000] =	vst v63  }
0x1e: {  	s24 =	simm.s32 $0x10080  }
0x1f: {  	[tilespmem:s17], [sflag:$0x2] =	stream.indirect.gather [hbm4b:s6+s15], $0x40, s24, s15, $0xb8;
	[tilespmem:$0x1C000] =	vst v63  }
0x20: {  	_ =	swait.ge [sflag:s18], $0x2000  }
0x21: {  	[sflag:s18] =	ssyncset.done $0x0  }
0x22: {  	s29 =	simm.s32 $0x14000;
	[sflag:s18] =	ssyncadd.s32 $0xFFFFE000  }
0x23: {  	[spmem:s1] =	stream.indirect.scatter.add.bf16 [tilespmem:s16], [sflag:$0x3], $0x40, s29, s15, $0xb8;
	[tilespmem:$0x1C000] =	vst v63  }
0x24: {  	_ =	swait.ge [sflag:s10], $0x2000  }
0x25: {  	[sflag:s10] =	ssyncset.done $0x0  }
0x26: {  	s30 =	simm.s32 $0x10100;
	[sflag:s10] =	ssyncadd.s32 $0xFFFFE000  }
0x27: {  	[tilespmem:s16], [sflag:$0x1] =	stream.indirect.gather [hbm4b:s6+s15], $0x40, s30, s15, $0xb8;
	[tilespmem:$0x1C000] =	vst v63  }
0x28: {  	_ =	swait.ge [sflag:s19], $0x2000  }
0x29: {  	[sflag:s19] =	ssyncset.done $0x0  }
0x2a: {  	s31 =	simm.s32 $0x14080;
	[sflag:s19] =	ssyncadd.s32 $0xFFFFE000  }
0x2b: {  	[spmem:s1] =	stream.indirect.scatter.add.bf16 [tilespmem:s17], [sflag:$0x3], $0x40, s31, s15, $0xb8;
	[tilespmem:$0x1C000] =	vst v63  }
0x2c: {  	_ =	swait.ge [sflag:s10], $0x2000  }
0x2d: {  	s25 =	simm.s32 $0x800;
	s24 =	simm.s32 $0x100;
	[sflag:s10] =	ssyncset.done $0x0  }
.LBB2_2:
0x2e: {  	s26 =	sadd.s32 $0x10080, s24  }
0x2f: {  	[sflag:s10] =	ssyncadd.s32 $0xFFFFE000;
	s28 =	smov.u32 s25;
	s29 =	sadd.s32 $0x400, s25  }
0x30: {  	[tilespmem:s17], [sflag:$0x2] =	stream.indirect.gather [hbm4b:s6+s15], $0x40, s26, s15, $0xb8;
	[tilespmem:$0x1C000] =	vst v63  }
0x31: {  	p0 =	sne.s32 s25, $0xF800;
	_ =	swait.ge [sflag:s18], $0x2000  }
0x32: {  	[sflag:s18] =	ssyncset.done $0x0  }
0x33: {  	s25 =	sadd.s32 $0x14000, s24;
	[sflag:s18] =	ssyncadd.s32 $0xFFFFE000  }
0x34: {  	[spmem:s1] =	stream.indirect.scatter.add.bf16 [tilespmem:s16], [sflag:$0x3], $0x40, s25, s15, $0xb8;
	[tilespmem:$0x1C000] =	vst v63  }
0x35: {  	_ =	swait.ge [sflag:s10], $0x2000  }
0x36: {  	[sflag:s10] =	ssyncset.done $0x0  }
0x37: {  	s25 =	sadd.s32 $0x10100, s24;
	[sflag:s10] =	ssyncadd.s32 $0xFFFFE000  }
0x38: {  	[tilespmem:s16], [sflag:$0x1] =	stream.indirect.gather [hbm4b:s6+s15], $0x40, s25, s15, $0xb8;
	[tilespmem:$0x1C000] =	vst v63  }
0x39: {  	_ =	swait.ge [sflag:s19], $0x2000  }
.Ltmp0:
0x3a: {  	[sflag:s19] =	ssyncset.done $0x0;
	(pc) =	sbr.rel @p0 .LBB2_2-.Ltmp0, $4  }
0x3b: {  	s24 =	sadd.s32 $0x14080, s24;
	[sflag:s19] =	ssyncadd.s32 $0xFFFFE000  }
0x3c: {  	[spmem:s1] =	stream.indirect.scatter.add.bf16 [tilespmem:s17], [sflag:$0x3], $0x40, s24, s15, $0xb8;
	[tilespmem:$0x1C000] =	vst v63  }
0x3d: {  	_ =	swait.ge [sflag:s10], $0x2000  }
0x3e: {  	s25 =	smov.u32 s29;
	s24 =	sshra.s32 s28, $0x2;
	[sflag:s10] =	ssyncset.done $0x0  }
0x3f: {  	s25 =	sadd.s32 $0x10080, s24;
	[sflag:s10] =	ssyncadd.s32 $0xFFFFE000  }
0x40: {  	[tilespmem:s17], [sflag:$0x2] =	stream.indirect.gather [hbm4b:s6+s15], $0x40, s25, s15, $0xb8;
	[tilespmem:$0x1C000] =	vst v63  }
0x41: {  	_ =	swait.ge [sflag:s18], $0x2000  }
0x42: {  	[sflag:s18] =	ssyncset.done $0x0  }
0x43: {  	s29 =	sadd.s32 $0x14000, s24;
	[sflag:s18] =	ssyncadd.s32 $0xFFFFE000  }
0x44: {  	[spmem:s1] =	stream.indirect.scatter.add.bf16 [tilespmem:s16], [sflag:$0x3], $0x40, s29, s15, $0xb8;
	[tilespmem:$0x1C000] =	vst v63  }
0x45: {  	_ =	swait.ge [sflag:s10], $0x2000  }
0x46: {  	[sflag:s10] =	ssyncset.done $0x0  }
0x47: {  	s30 =	sadd.s32 $0x10100, s24;
	[sflag:s10] =	ssyncadd.s32 $0xFFFFE000  }
0x48: {  	[tilespmem:s16], [sflag:$0x1] =	stream.indirect.gather [hbm4b:s6+s15], $0x40, s30, s15, $0xb8;
	[tilespmem:$0x1C000] =	vst v63  }
0x49: {  	_ =	swait.ge [sflag:s19], $0x2000  }
0x4a: {  	[sflag:s19] =	ssyncset.done $0x0  }
0x4b: {  	s31 =	sadd.s32 $0x14080, s24;
	[sflag:s19] =	ssyncadd.s32 $0xFFFFE000  }
0x4c: {  	[spmem:s1] =	stream.indirect.scatter.add.bf16 [tilespmem:s17], [sflag:$0x3], $0x40, s31, s15, $0xb8;
	[tilespmem:$0x1C000] =	vst v63  }
0x4d: {  	_ =	swait.ge [sflag:s10], $0x2000  }
0x4e: {  	[sflag:s10] =	ssyncset.done $0x0  }
0x4f: {  	[sflag:s10] =	ssyncadd.s32 $0xFFFFE000  }
0x50: {  	[tilespmem:s17], [sflag:$0x2] =	stream.indirect.gather [hbm4b:s6+s15], $0x40, s20, s15, $0xb8;
	[tilespmem:$0x1C000] =	vst v63  }
0x51: {  	_ =	swait.ge [sflag:s18], $0x2000  }
0x52: {  	[sflag:s18] =	ssyncset.done $0x0  }
0x53: {  	[sflag:s18] =	ssyncadd.s32 $0xFFFFE000  }
0x54: {  	[spmem:s1] =	stream.indirect.scatter.add.bf16 [tilespmem:s16], [sflag:$0x3], $0x40, s21, s15, $0xb8;
	[tilespmem:$0x1C000] =	vst v63  }
0x55: {  	_ =	swait.ge [sflag:s10], $0x2000  }
0x56: {  	[sflag:s10] =	ssyncset.done $0x0  }
0x57: {  	[sflag:s10] =	ssyncadd.s32 $0xFFFFE000  }
0x58: {  	_ =	swait.ge [sflag:s19], $0x2000  }
0x59: {  	[sflag:s19] =	ssyncset.done $0x0  }
0x5a: {  	[sflag:s19] =	ssyncadd.s32 $0xFFFFE000  }
0x5b: {  	[spmem:s1] =	stream.indirect.scatter.add.bf16 [tilespmem:s17], [sflag:$0x3], $0x40, s22, s15, $0xb8;
	[tilespmem:$0x1C000] =	vst v63  }
0x5c: {  	_ =	swait.ge [sflag:s10], $0x2000  }
0x5d: {  	[sflag:s10] =	ssyncset.done $0x0  }
0x5e: {  	s23 =	sadd.s32 $0x1, s23;
	[sflag:s10] =	ssyncadd.s32 $0xFFFFE000  }
0x5f: {  	p0 =	sne.s32 s23, s8;
	[bflag:$0x0] =	sbarrier.arrive $0xFFFF  }
0x60: {  	[hbm:s7], [sflag:s13] =	dma.local [spmem:s14], $0x2000  }
.Ltmp1:
0x61: {  	_ =	swait.ge [sflag:s10], $0x2000;
	(pc) =	sbr.rel @p0 .LBB2_1-.Ltmp1, $3  }
0x62: {  	[sflag:s10] =	ssyncset.done $0x0  }
0x63: {  	[sflag:s10] =	ssyncadd.s32 $0xFFFFE000  }
0x64: {  	[bflag:$0x0] =	sbarrier.arrive $0xFFFF;
	_ =	sdelay $0x1  }
0x65: {  	_ =	sfence.sel $0x180000  }
0x66: {  	[bflag:$0x0] =	sbarrier.arrive $0xFFFF  }
0x67: {  	p0 =	sne.s32 s2, $0x0;
	_ =	strace $0x9000004A  }
0x68: {  	s0 =	sadd.s32 @!p0 $0x100000, s0;
	[bflag:$0x2] =	sbarrier.arrive $0xFFFF  }
0x69: {  	[sflag:s0] =	ssyncadd.tile.s32 @!p0 $0x1;
	_ =	shalt  }
.Lfunc_end2:
_tile_overlayer_lowered:
.L_overlay_start_2:
0x6a: {  	(tag) =	ssettag $0x2  }
0x6b: {  	s0 =	rddreg [dreg:$0x0];
	s2 =	stileid.u32  }
0x6c: {  	s1 =	rddreg [dreg:$0x1];
	p0 =	sne.s32 s2, $0x0  }
0x6d: {  	s3 =	rddreg [dreg:$0x2];
	[bflag:$0x3] =	sbarrier.arrive $0xFFFF;
	s2 =	simm.s32 @!p0 $0x1C03  }
0x6e: {  	[timem:s3], [sflag:s2] =	dma.local @!p0 [hbm:s0], s1  }
0x6f: {  	s0 =	simm.s32 @!p0 $0x3  }
0x70: {  	_ =	swait.ge @!p0 [sflag:s0], s1  }
0x71: {  	s1 =	ssub.s32 @!p0 $0x0, s1;
	[sflag:s0] =	ssyncset.done @!p0 $0x0  }
0x72: {  	[sflag:s0] =	ssyncadd.s32 @!p0 s1  }
0x73: {  	[bflag:$0x3] =	sbarrier.arrive $0xFFFF  }
0x74: {  	_ =	shalt  }

</sc_bundles>
